<compile_context>
chip_gen: v7x
topology: tpu7x:2x2x1
jax: 0.10.2.dev20260603
libtpu: 0.0.44.dev20260713+nightly
codegen_flags: <defaults>
</compile_context>

<pallas_src>
import functools

import jax
import jax.numpy as jnp
from jax import lax
from jax.experimental import pallas as pl
from jax.experimental.pallas import tpu as pltpu
from jax.experimental.pallas import tpu_sc as plsc

N_EMB = 8192
DIM = 256
BETA = 0.25

TM = 256
NCH = 512
BIG = 2**30


def _k1_body(x_ref, x2_ref, wt_ref, w2_ref, enc_ref, idx_ref, cnt_ref,
             msum_ref):
    i = pl.program_id(0)
    x = x_ref[...]
    x2 = x2_ref[...]
    runmin = jnp.full((TM, 1), jnp.inf, dtype=jnp.float32)
    runidx = jnp.zeros((TM, 1), dtype=jnp.int32)
    iota = lax.broadcasted_iota(jnp.int32, (TM, NCH), 1)
    for j in range(N_EMB // NCH):
        wt = wt_ref[:, j * NCH:(j + 1) * NCH]
        w2 = w2_ref[:, j * NCH:(j + 1) * NCH]
        mm = lax.dot_general(x, wt, (((1,), (0,)), ((), ())),
                             preferred_element_type=jnp.float32)
        dist = (x2 + w2) - 2.0 * mm
        cmin = jnp.min(dist, axis=1, keepdims=True)
        cidx = jnp.min(jnp.where(dist == cmin, iota + j * NCH, BIG),
                       axis=1, keepdims=True)
        upd = cmin < runmin
        runidx = jnp.where(upd, cidx, runidx)
        runmin = jnp.where(upd, cmin, runmin)
    idx_ref[...] = runidx

    @pl.when(i == 0)
    def _():
        cnt_ref[...] = jnp.zeros((1, N_EMB), jnp.float32)
        msum_ref[...] = jnp.zeros((1, 1), jnp.float32)

    msum_ref[...] += jnp.sum(runmin, keepdims=True)
    for j in range(N_EMB // NCH):
        oh = (runidx == iota + j * NCH).astype(jnp.float32)
        enc_ref[:, j * NCH:(j + 1) * NCH] = oh
        cnt_ref[:, j * NCH:(j + 1) * NCH] += jnp.sum(oh, axis=0,
                                                     keepdims=True)


def _k1_call(flat, x2, wt, w2):
    nblk = flat.shape[0] // TM
    return pl.pallas_call(
        _k1_body,
        grid=(nblk,),
        in_specs=[
            pl.BlockSpec((TM, DIM), lambda i: (i, 0)),
            pl.BlockSpec((TM, 1), lambda i: (i, 0)),
            pl.BlockSpec((DIM, N_EMB), lambda i: (0, 0)),
            pl.BlockSpec((1, N_EMB), lambda i: (0, 0)),
        ],
        out_specs=[
            pl.BlockSpec((TM, N_EMB), lambda i: (i, 0)),
            pl.BlockSpec((TM, 1), lambda i: (i, 0)),
            pl.BlockSpec((1, N_EMB), lambda i: (0, 0)),
            pl.BlockSpec((1, 1), lambda i: (0, 0)),
        ],
        out_shape=[
            jax.ShapeDtypeStruct((flat.shape[0], N_EMB), jnp.float32),
            jax.ShapeDtypeStruct((flat.shape[0], 1), jnp.int32),
            jax.ShapeDtypeStruct((1, N_EMB), jnp.float32),
            jax.ShapeDtypeStruct((1, 1), jnp.float32),
        ],
        compiler_params=pltpu.CompilerParams(
            dimension_semantics=("arbitrary",)),
    )(flat, x2, wt, w2)


_NC = 2
_NS = 16
_NW = _NC * _NS
_GCH = 128


def _gather_call(weight, idx):
    b = idx.shape[0]
    per_w = b // _NW
    mesh = plsc.VectorSubcoreMesh(core_axis_name="c", subcore_axis_name="s")

    @functools.partial(
        pl.kernel, mesh=mesh,
        out_type=jax.ShapeDtypeStruct((b, DIM), jnp.float32),
        scratch_types=[
            pltpu.VMEM((_GCH,), jnp.int32),
            pltpu.VMEM((_GCH, DIM), jnp.float32),
            pltpu.SemaphoreType.DMA,
        ],
    )
    def _gk(table_hbm, idx_hbm, out_hbm, idx_v, rows_v, sem):
        wid = lax.axis_index("s") * _NC + lax.axis_index("c")
        base = wid * per_w
        for c in range(per_w // _GCH):
            off = base + c * _GCH
            pltpu.sync_copy(idx_hbm.at[pl.ds(off, _GCH)], idx_v)
            pltpu.async_copy(table_hbm.at[idx_v], rows_v, sem).wait()
            pltpu.sync_copy(rows_v, out_hbm.at[pl.ds(off, _GCH)])

    return _gk(weight, idx)


def _k3_body(x_ref, q_ref, o_ref):
    x = x_ref[0]
    q = q_ref[0]
    o_ref[0] = jnp.transpose(x + (q - x), (1, 0))


def _k3_call(x_bt, q_bt):
    b, t, d = x_bt.shape
    return pl.pallas_call(
        _k3_body,
        grid=(b,),
        in_specs=[
            pl.BlockSpec((1, t, d), lambda i: (i, 0, 0)),
            pl.BlockSpec((1, t, d), lambda i: (i, 0, 0)),
        ],
        out_specs=pl.BlockSpec((1, d, t), lambda i: (i, 0, 0)),
        out_shape=jax.ShapeDtypeStruct((b, d, t), jnp.float32),
    )(x_bt, q_bt)


def kernel(inputs, weight):
    b, c, t = inputs.shape
    x = jnp.transpose(inputs, (0, 2, 1))
    flat = x.reshape(-1, DIM)
    n = flat.shape[0]
    x2 = jnp.sum(flat ** 2, axis=1, keepdims=True)
    w2 = jnp.sum(weight ** 2, axis=1)
    wt = weight.T

    enc, idx2d, cnt, msum = _k1_call(
        flat.astype(jnp.bfloat16), x2, wt.astype(jnp.bfloat16),
        w2.reshape(1, N_EMB))
    idx = idx2d.reshape(n)

    quant = _gather_call(weight, idx)
    q_bt = quant.reshape(b, t, DIM)

    quantized_out = _k3_call(x, q_bt)

    m = msum[0, 0] / jnp.float32(n * DIM)
    loss = m + BETA * m
    avg_probs = cnt.reshape(N_EMB) / jnp.float32(n)
    perplexity = jnp.exp(-jnp.sum(avg_probs * jnp.log(avg_probs + 1e-10)))
    return (loss, quantized_out, perplexity, weight, idx.reshape(b, t), enc)

# --- scband reference (transcript-rebuilt; emitter-appended) ---
"""Pipeline reference for scband-vector-quantizer-13322988552765 (READ-ONLY COPY).

The authoritative reference and input builder live on the scoring server;
editing this copy changes nothing except your own understanding.
"""

import jax, jax.numpy as jnp
import numpy as np

NUM_EMBEDDINGS = 8192
EMBEDDING_DIM = 256
COMMITMENT_COST = 0.25


def setup_inputs(seed: int = 0) -> dict:
    key = jax.random.key(seed)
    k1, k2 = jax.random.split(key)
    inputs = jax.random.normal(k1, (16, 256, 1024), dtype=jnp.float32)
    weight = jax.random.uniform(
        k2, (NUM_EMBEDDINGS, EMBEDDING_DIM), dtype=jnp.float32,
        minval=-1.0 / NUM_EMBEDDINGS, maxval=1.0 / NUM_EMBEDDINGS)
    return {"inputs": inputs, "weight": weight}


def reference(inputs, weight):
    # inputs: [B, C, T] -> [B, T, C]
    x = jnp.transpose(inputs, (0, 2, 1))
    b, t, d = x.shape
    input_shape = x.shape
    flat_input = x.reshape(-1, d)
    distances = (jnp.sum(flat_input ** 2, axis=1, keepdims=True)
                 + jnp.sum(weight ** 2, axis=1)
                 - 2.0 * jnp.matmul(flat_input, weight.T))
    encoding_indices = jnp.argmin(distances, axis=1)  # [N]
    n = encoding_indices.shape[0]
    encodings = jnp.zeros((n, NUM_EMBEDDINGS), dtype=jnp.float32)
    encodings = encodings.at[jnp.arange(n), encoding_indices].set(1.0)
    quantized = jnp.matmul(encodings, weight).reshape(input_shape)
    e_latent_loss = jnp.mean((jax.lax.stop_gradient(quantized) - x) ** 2)
    q_latent_loss = jnp.mean((quantized - jax.lax.stop_gradient(x)) ** 2)
    loss = q_latent_loss + COMMITMENT_COST * e_latent_loss
    quantized_st = x + jax.lax.stop_gradient(quantized - x)
    avg_probs = jnp.mean(encodings, axis=0)
    perplexity = jnp.exp(-jnp.sum(avg_probs * jnp.log(avg_probs + 1e-10)))
    encoding_indices_bt = encoding_indices.reshape(b, t)
    quantized_out = jnp.transpose(quantized_st, (0, 2, 1))
    return (loss, quantized_out, perplexity, weight, encoding_indices_bt, encodings)

if __name__ == "__main__":
    import jax
    _d = setup_inputs()
    print(jax.jit(kernel)(*tuple(_d.values())))

</pallas_src>

<mosaic_0001>
#map = affine_map<(d0, d1) -> (0, 0)>
#map1 = affine_map<(d0, d1) -> (0)>
module attributes {stable_mosaic.version = 14 : i64} {
  func.func @_gk(%arg0: i32, %arg1: i32, %arg2: memref<8192x256xf32, #tpu.memory_space<hbm>>, %arg3: memref<16384xi32, #tpu.memory_space<hbm>>, %arg4: memref<16384x256xf32, #tpu.memory_space<hbm>>, %arg5: memref<128xi32, #tpu.memory_space<vmem>>, %arg6: memref<128x256xf32, #tpu.memory_space<vmem>>, %arg7: memref<!tpu.dma_semaphore, #tpu.memory_space<semaphore_mem>>) attributes {dimension_semantics = [#tpu.dimension_semantics<core_parallel>, #tpu.dimension_semantics<subcore_parallel>], iteration_bounds = array<i64: 2, 16>, scalar_prefetch = 0 : i64, scratch_operands = 3 : i64, tpu.core_type = #tpu.core_type<sc_vector_subcore>, window_params = [{transform_indices = #map}, {transform_indices = #map1}, {transform_indices = #map}]} {
    %mul3A = arith.constant 2 : i32
    %mul3A_0 = arith.muli %arg1, %mul3A : i32
    %add3A = arith.addi %mul3A_0, %arg0 : i32
    %mul3A_1 = arith.constant 512 : i32
    %mul3A_2 = arith.muli %add3A, %mul3A_1 : i32
    %add3A_3 = arith.constant 0 : i32
    %add3A_4 = arith.addi %mul3A_2, %add3A_3 : i32
    "tpu.region"() ({
      %run_scoped3A = tpu.sem_alloc : memref<!tpu.dma_semaphore, #tpu.memory_space<semaphore_mem>>
      %dma_start3A_33 = tpu.memref_slice %arg3[%add3A_4] : memref<16384xi32, #tpu.memory_space<hbm>> -> memref<128xi32, #tpu.memory_space<hbm>>
      %dma_start3A_34 = tpu.memref_slice %arg3[%add3A_4] : memref<16384xi32, #tpu.memory_space<hbm>> -> memref<128xi32, #tpu.memory_space<hbm>>
      tpu.enqueue_dma source(%dma_start3A_34 : memref<128xi32, #tpu.memory_space<hbm>>) target(%arg5 : memref<128xi32, #tpu.memory_space<vmem>>) target_semaphore(%run_scoped3A : memref<!tpu.dma_semaphore, #tpu.memory_space<semaphore_mem>>)
      %dma_wait3A_35 = tpu.memref_slice %arg3[%add3A_4] : memref<16384xi32, #tpu.memory_space<hbm>> -> memref<128xi32, #tpu.memory_space<hbm>>
      %dma_wait3A_36 = tpu.memref_slice %arg3[%add3A_4] : memref<16384xi32, #tpu.memory_space<hbm>> -> memref<128xi32, #tpu.memory_space<hbm>>
      tpu.wait_dma2 semaphore(%run_scoped3A : memref<!tpu.dma_semaphore, #tpu.memory_space<semaphore_mem>>) src(%dma_wait3A_36 : memref<128xi32, #tpu.memory_space<hbm>>) dst(%arg5 : memref<128xi32, #tpu.memory_space<vmem>>)
      tpu.yield
    }) : () -> ()
    %dma_start3A = arith.constant 0 : i32
    %dma_start3A_5 = arith.constant 0 : i32
    %dma_start3A_6 = tpu.memref_slice %arg2[%dma_start3A, %dma_start3A_5] : memref<8192x256xf32, #tpu.memory_space<hbm>> -> memref<8192x256xf32, #tpu.memory_space<hbm>>
    tpu.enqueue_indirect_dma source(%dma_start3A_6 : memref<8192x256xf32, #tpu.memory_space<hbm>>) target(%arg6 : memref<128x256xf32, #tpu.memory_space<vmem>>) offsets(%arg5 : memref<128xi32, #tpu.memory_space<vmem>>) semaphore(%arg7 : memref<!tpu.dma_semaphore, #tpu.memory_space<semaphore_mem>>)
    %dma_wait3A = arith.constant 0 : i32
    %dma_wait3A_7 = arith.constant 0 : i32
    %dma_wait3A_8 = tpu.memref_slice %arg2[%dma_wait3A, %dma_wait3A_7] : memref<8192x256xf32, #tpu.memory_space<hbm>> -> memref<8192x256xf32, #tpu.memory_space<hbm>>
    tpu.wait_indirect_dma semaphore(%arg7 : memref<!tpu.dma_semaphore, #tpu.memory_space<semaphore_mem>>) src(%dma_wait3A_8 : memref<8192x256xf32, #tpu.memory_space<hbm>>) dst(%arg6 : memref<128x256xf32, #tpu.memory_space<vmem>>)
    "tpu.region"() ({
      %run_scoped3A = tpu.sem_alloc : memref<!tpu.dma_semaphore, #tpu.memory_space<semaphore_mem>>
      %dma_start3A_33 = arith.constant 0 : i32
      %dma_start3A_34 = tpu.memref_slice %arg4[%add3A_4, %dma_start3A_33] : memref<16384x256xf32, #tpu.memory_space<hbm>> -> memref<128x256xf32, #tpu.memory_space<hbm>>
      %dma_start3A_35 = arith.constant 0 : i32
      %dma_start3A_36 = tpu.memref_slice %arg4[%add3A_4, %dma_start3A_35] : memref<16384x256xf32, #tpu.memory_space<hbm>> -> memref<128x256xf32, #tpu.memory_space<hbm>>
      tpu.enqueue_dma source(%arg6 : memref<128x256xf32, #tpu.memory_space<vmem>>) target(%dma_start3A_36 : memref<128x256xf32, #tpu.memory_space<hbm>>) target_semaphore(%run_scoped3A : memref<!tpu.dma_semaphore, #tpu.memory_space<semaphore_mem>>)
      %dma_wait3A_37 = arith.constant 0 : i32
      %dma_wait3A_38 = tpu.memref_slice %arg4[%add3A_4, %dma_wait3A_37] : memref<16384x256xf32, #tpu.memory_space<hbm>> -> memref<128x256xf32, #tpu.memory_space<hbm>>
      %dma_wait3A_39 = arith.constant 0 : i32
      %dma_wait3A_40 = tpu.memref_slice %arg4[%add3A_4, %dma_wait3A_39] : memref<16384x256xf32, #tpu.memory_space<hbm>> -> memref<128x256xf32, #tpu.memory_space<hbm>>
      tpu.wait_dma2 semaphore(%run_scoped3A : memref<!tpu.dma_semaphore, #tpu.memory_space<semaphore_mem>>) src(%arg6 : memref<128x256xf32, #tpu.memory_space<vmem>>) dst(%dma_wait3A_40 : memref<128x256xf32, #tpu.memory_space<hbm>>)
      tpu.yield
    }) : () -> ()
    %add3A_9 = arith.constant 128 : i32
    %add3A_10 = arith.addi %mul3A_2, %add3A_9 : i32
    "tpu.region"() ({
      %run_scoped3A = tpu.sem_alloc : memref<!tpu.dma_semaphore, #tpu.memory_space<semaphore_mem>>
      %dma_start3A_33 = tpu.memref_slice %arg3[%add3A_10] : memref<16384xi32, #tpu.memory_space<hbm>> -> memref<128xi32, #tpu.memory_space<hbm>>
      %dma_start3A_34 = tpu.memref_slice %arg3[%add3A_10] : memref<16384xi32, #tpu.memory_space<hbm>> -> memref<128xi32, #tpu.memory_space<hbm>>
      tpu.enqueue_dma source(%dma_start3A_34 : memref<128xi32, #tpu.memory_space<hbm>>) target(%arg5 : memref<128xi32, #tpu.memory_space<vmem>>) target_semaphore(%run_scoped3A : memref<!tpu.dma_semaphore, #tpu.memory_space<semaphore_mem>>)
      %dma_wait3A_35 = tpu.memref_slice %arg3[%add3A_10] : memref<16384xi32, #tpu.memory_space<hbm>> -> memref<128xi32, #tpu.memory_space<hbm>>
      %dma_wait3A_36 = tpu.memref_slice %arg3[%add3A_10] : memref<16384xi32, #tpu.memory_space<hbm>> -> memref<128xi32, #tpu.memory_space<hbm>>
      tpu.wait_dma2 semaphore(%run_scoped3A : memref<!tpu.dma_semaphore, #tpu.memory_space<semaphore_mem>>) src(%dma_wait3A_36 : memref<128xi32, #tpu.memory_space<hbm>>) dst(%arg5 : memref<128xi32, #tpu.memory_space<vmem>>)
      tpu.yield
    }) : () -> ()
    %dma_start3A_11 = arith.constant 0 : i32
    %dma_start3A_12 = arith.constant 0 : i32
    %dma_start3A_13 = tpu.memref_slice %arg2[%dma_start3A_11, %dma_start3A_12] : memref<8192x256xf32, #tpu.memory_space<hbm>> -> memref<8192x256xf32, #tpu.memory_space<hbm>>
    tpu.enqueue_indirect_dma source(%dma_start3A_13 : memref<8192x256xf32, #tpu.memory_space<hbm>>) target(%arg6 : memref<128x256xf32, #tpu.memory_space<vmem>>) offsets(%arg5 : memref<128xi32, #tpu.memory_space<vmem>>) semaphore(%arg7 : memref<!tpu.dma_semaphore, #tpu.memory_space<semaphore_mem>>)
    %dma_wait3A_14 = arith.constant 0 : i32
    %dma_wait3A_15 = arith.constant 0 : i32
    %dma_wait3A_16 = tpu.memref_slice %arg2[%dma_wait3A_14, %dma_wait3A_15] : memref<8192x256xf32, #tpu.memory_space<hbm>> -> memref<8192x256xf32, #tpu.memory_space<hbm>>
    tpu.wait_indirect_dma semaphore(%arg7 : memref<!tpu.dma_semaphore, #tpu.memory_space<semaphore_mem>>) src(%dma_wait3A_16 : memref<8192x256xf32, #tpu.memory_space<hbm>>) dst(%arg6 : memref<128x256xf32, #tpu.memory_space<vmem>>)
    "tpu.region"() ({
      %run_scoped3A = tpu.sem_alloc : memref<!tpu.dma_semaphore, #tpu.memory_space<semaphore_mem>>
      %dma_start3A_33 = arith.constant 0 : i32
      %dma_start3A_34 = tpu.memref_slice %arg4[%add3A_10, %dma_start3A_33] : memref<16384x256xf32, #tpu.memory_space<hbm>> -> memref<128x256xf32, #tpu.memory_space<hbm>>
      %dma_start3A_35 = arith.constant 0 : i32
      %dma_start3A_36 = tpu.memref_slice %arg4[%add3A_10, %dma_start3A_35] : memref<16384x256xf32, #tpu.memory_space<hbm>> -> memref<128x256xf32, #tpu.memory_space<hbm>>
      tpu.enqueue_dma source(%arg6 : memref<128x256xf32, #tpu.memory_space<vmem>>) target(%dma_start3A_36 : memref<128x256xf32, #tpu.memory_space<hbm>>) target_semaphore(%run_scoped3A : memref<!tpu.dma_semaphore, #tpu.memory_space<semaphore_mem>>)
      %dma_wait3A_37 = arith.constant 0 : i32
      %dma_wait3A_38 = tpu.memref_slice %arg4[%add3A_10, %dma_wait3A_37] : memref<16384x256xf32, #tpu.memory_space<hbm>> -> memref<128x256xf32, #tpu.memory_space<hbm>>
      %dma_wait3A_39 = arith.constant 0 : i32
      %dma_wait3A_40 = tpu.memref_slice %arg4[%add3A_10, %dma_wait3A_39] : memref<16384x256xf32, #tpu.memory_space<hbm>> -> memref<128x256xf32, #tpu.memory_space<hbm>>
      tpu.wait_dma2 semaphore(%run_scoped3A : memref<!tpu.dma_semaphore, #tpu.memory_space<semaphore_mem>>) src(%arg6 : memref<128x256xf32, #tpu.memory_space<vmem>>) dst(%dma_wait3A_40 : memref<128x256xf32, #tpu.memory_space<hbm>>)
      tpu.yield
    }) : () -> ()
    %add3A_17 = arith.constant 256 : i32
    %add3A_18 = arith.addi %mul3A_2, %add3A_17 : i32
    "tpu.region"() ({
      %run_scoped3A = tpu.sem_alloc : memref<!tpu.dma_semaphore, #tpu.memory_space<semaphore_mem>>
      %dma_start3A_33 = tpu.memref_slice %arg3[%add3A_18] : memref<16384xi32, #tpu.memory_space<hbm>> -> memref<128xi32, #tpu.memory_space<hbm>>
      %dma_start3A_34 = tpu.memref_slice %arg3[%add3A_18] : memref<16384xi32, #tpu.memory_space<hbm>> -> memref<128xi32, #tpu.memory_space<hbm>>
      tpu.enqueue_dma source(%dma_start3A_34 : memref<128xi32, #tpu.memory_space<hbm>>) target(%arg5 : memref<128xi32, #tpu.memory_space<vmem>>) target_semaphore(%run_scoped3A : memref<!tpu.dma_semaphore, #tpu.memory_space<semaphore_mem>>)
      %dma_wait3A_35 = tpu.memref_slice %arg3[%add3A_18] : memref<16384xi32, #tpu.memory_space<hbm>> -> memref<128xi32, #tpu.memory_space<hbm>>
      %dma_wait3A_36 = tpu.memref_slice %arg3[%add3A_18] : memref<16384xi32, #tpu.memory_space<hbm>> -> memref<128xi32, #tpu.memory_space<hbm>>
      tpu.wait_dma2 semaphore(%run_scoped3A : memref<!tpu.dma_semaphore, #tpu.memory_space<semaphore_mem>>) src(%dma_wait3A_36 : memref<128xi32, #tpu.memory_space<hbm>>) dst(%arg5 : memref<128xi32, #tpu.memory_space<vmem>>)
      tpu.yield
    }) : () -> ()
    %dma_start3A_19 = arith.constant 0 : i32
    %dma_start3A_20 = arith.constant 0 : i32
    %dma_start3A_21 = tpu.memref_slice %arg2[%dma_start3A_19, %dma_start3A_20] : memref<8192x256xf32, #tpu.memory_space<hbm>> -> memref<8192x256xf32, #tpu.memory_space<hbm>>
    tpu.enqueue_indirect_dma source(%dma_start3A_21 : memref<8192x256xf32, #tpu.memory_space<hbm>>) target(%arg6 : memref<128x256xf32, #tpu.memory_space<vmem>>) offsets(%arg5 : memref<128xi32, #tpu.memory_space<vmem>>) semaphore(%arg7 : memref<!tpu.dma_semaphore, #tpu.memory_space<semaphore_mem>>)
    %dma_wait3A_22 = arith.constant 0 : i32
    %dma_wait3A_23 = arith.constant 0 : i32
    %dma_wait3A_24 = tpu.memref_slice %arg2[%dma_wait3A_22, %dma_wait3A_23] : memref<8192x256xf32, #tpu.memory_space<hbm>> -> memref<8192x256xf32, #tpu.memory_space<hbm>>
    tpu.wait_indirect_dma semaphore(%arg7 : memref<!tpu.dma_semaphore, #tpu.memory_space<semaphore_mem>>) src(%dma_wait3A_24 : memref<8192x256xf32, #tpu.memory_space<hbm>>) dst(%arg6 : memref<128x256xf32, #tpu.memory_space<vmem>>)
    "tpu.region"() ({
      %run_scoped3A = tpu.sem_alloc : memref<!tpu.dma_semaphore, #tpu.memory_space<semaphore_mem>>
      %dma_start3A_33 = arith.constant 0 : i32
      %dma_start3A_34 = tpu.memref_slice %arg4[%add3A_18, %dma_start3A_33] : memref<16384x256xf32, #tpu.memory_space<hbm>> -> memref<128x256xf32, #tpu.memory_space<hbm>>
      %dma_start3A_35 = arith.constant 0 : i32
      %dma_start3A_36 = tpu.memref_slice %arg4[%add3A_18, %dma_start3A_35] : memref<16384x256xf32, #tpu.memory_space<hbm>> -> memref<128x256xf32, #tpu.memory_space<hbm>>
      tpu.enqueue_dma source(%arg6 : memref<128x256xf32, #tpu.memory_space<vmem>>) target(%dma_start3A_36 : memref<128x256xf32, #tpu.memory_space<hbm>>) target_semaphore(%run_scoped3A : memref<!tpu.dma_semaphore, #tpu.memory_space<semaphore_mem>>)
      %dma_wait3A_37 = arith.constant 0 : i32
      %dma_wait3A_38 = tpu.memref_slice %arg4[%add3A_18, %dma_wait3A_37] : memref<16384x256xf32, #tpu.memory_space<hbm>> -> memref<128x256xf32, #tpu.memory_space<hbm>>
      %dma_wait3A_39 = arith.constant 0 : i32
      %dma_wait3A_40 = tpu.memref_slice %arg4[%add3A_18, %dma_wait3A_39] : memref<16384x256xf32, #tpu.memory_space<hbm>> -> memref<128x256xf32, #tpu.memory_space<hbm>>
      tpu.wait_dma2 semaphore(%run_scoped3A : memref<!tpu.dma_semaphore, #tpu.memory_space<semaphore_mem>>) src(%arg6 : memref<128x256xf32, #tpu.memory_space<vmem>>) dst(%dma_wait3A_40 : memref<128x256xf32, #tpu.memory_space<hbm>>)
      tpu.yield
    }) : () -> ()
    %add3A_25 = arith.constant 384 : i32
    %add3A_26 = arith.addi %mul3A_2, %add3A_25 : i32
    "tpu.region"() ({
      %run_scoped3A = tpu.sem_alloc : memref<!tpu.dma_semaphore, #tpu.memory_space<semaphore_mem>>
      %dma_start3A_33 = tpu.memref_slice %arg3[%add3A_26] : memref<16384xi32, #tpu.memory_space<hbm>> -> memref<128xi32, #tpu.memory_space<hbm>>
      %dma_start3A_34 = tpu.memref_slice %arg3[%add3A_26] : memref<16384xi32, #tpu.memory_space<hbm>> -> memref<128xi32, #tpu.memory_space<hbm>>
      tpu.enqueue_dma source(%dma_start3A_34 : memref<128xi32, #tpu.memory_space<hbm>>) target(%arg5 : memref<128xi32, #tpu.memory_space<vmem>>) target_semaphore(%run_scoped3A : memref<!tpu.dma_semaphore, #tpu.memory_space<semaphore_mem>>)
      %dma_wait3A_35 = tpu.memref_slice %arg3[%add3A_26] : memref<16384xi32, #tpu.memory_space<hbm>> -> memref<128xi32, #tpu.memory_space<hbm>>
      %dma_wait3A_36 = tpu.memref_slice %arg3[%add3A_26] : memref<16384xi32, #tpu.memory_space<hbm>> -> memref<128xi32, #tpu.memory_space<hbm>>
      tpu.wait_dma2 semaphore(%run_scoped3A : memref<!tpu.dma_semaphore, #tpu.memory_space<semaphore_mem>>) src(%dma_wait3A_36 : memref<128xi32, #tpu.memory_space<hbm>>) dst(%arg5 : memref<128xi32, #tpu.memory_space<vmem>>)
      tpu.yield
    }) : () -> ()
    %dma_start3A_27 = arith.constant 0 : i32
    %dma_start3A_28 = arith.constant 0 : i32
    %dma_start3A_29 = tpu.memref_slice %arg2[%dma_start3A_27, %dma_start3A_28] : memref<8192x256xf32, #tpu.memory_space<hbm>> -> memref<8192x256xf32, #tpu.memory_space<hbm>>
    tpu.enqueue_indirect_dma source(%dma_start3A_29 : memref<8192x256xf32, #tpu.memory_space<hbm>>) target(%arg6 : memref<128x256xf32, #tpu.memory_space<vmem>>) offsets(%arg5 : memref<128xi32, #tpu.memory_space<vmem>>) semaphore(%arg7 : memref<!tpu.dma_semaphore, #tpu.memory_space<semaphore_mem>>)
    %dma_wait3A_30 = arith.constant 0 : i32
    %dma_wait3A_31 = arith.constant 0 : i32
    %dma_wait3A_32 = tpu.memref_slice %arg2[%dma_wait3A_30, %dma_wait3A_31] : memref<8192x256xf32, #tpu.memory_space<hbm>> -> memref<8192x256xf32, #tpu.memory_space<hbm>>
    tpu.wait_indirect_dma semaphore(%arg7 : memref<!tpu.dma_semaphore, #tpu.memory_space<semaphore_mem>>) src(%dma_wait3A_32 : memref<8192x256xf32, #tpu.memory_space<hbm>>) dst(%arg6 : memref<128x256xf32, #tpu.memory_space<vmem>>)
    "tpu.region"() ({
      %run_scoped3A = tpu.sem_alloc : memref<!tpu.dma_semaphore, #tpu.memory_space<semaphore_mem>>
      %dma_start3A_33 = arith.constant 0 : i32
      %dma_start3A_34 = tpu.memref_slice %arg4[%add3A_26, %dma_start3A_33] : memref<16384x256xf32, #tpu.memory_space<hbm>> -> memref<128x256xf32, #tpu.memory_space<hbm>>
      %dma_start3A_35 = arith.constant 0 : i32
      %dma_start3A_36 = tpu.memref_slice %arg4[%add3A_26, %dma_start3A_35] : memref<16384x256xf32, #tpu.memory_space<hbm>> -> memref<128x256xf32, #tpu.memory_space<hbm>>
      tpu.enqueue_dma source(%arg6 : memref<128x256xf32, #tpu.memory_space<vmem>>) target(%dma_start3A_36 : memref<128x256xf32, #tpu.memory_space<hbm>>) target_semaphore(%run_scoped3A : memref<!tpu.dma_semaphore, #tpu.memory_space<semaphore_mem>>)
      %dma_wait3A_37 = arith.constant 0 : i32
      %dma_wait3A_38 = tpu.memref_slice %arg4[%add3A_26, %dma_wait3A_37] : memref<16384x256xf32, #tpu.memory_space<hbm>> -> memref<128x256xf32, #tpu.memory_space<hbm>>
      %dma_wait3A_39 = arith.constant 0 : i32
      %dma_wait3A_40 = tpu.memref_slice %arg4[%add3A_26, %dma_wait3A_39] : memref<16384x256xf32, #tpu.memory_space<hbm>> -> memref<128x256xf32, #tpu.memory_space<hbm>>
      tpu.wait_dma2 semaphore(%run_scoped3A : memref<!tpu.dma_semaphore, #tpu.memory_space<semaphore_mem>>) src(%arg6 : memref<128x256xf32, #tpu.memory_space<vmem>>) dst(%dma_wait3A_40 : memref<128x256xf32, #tpu.memory_space<hbm>>)
      tpu.yield
    }) : () -> ()
    return
  }
}

module attributes {stable_mosaic.version = 14 : i64} {
  func.func @_k1_body(%arg0: i32, %arg1: memref<256x256xbf16, #tpu.memory_space<vmem>>, %arg2: memref<256x1xf32, #tpu.memory_space<vmem>>, %arg3: memref<256x8192xbf16, #tpu.memory_space<vmem>>, %arg4: memref<1x8192xf32, #tpu.memory_space<vmem>>, %arg5: memref<256x8192xf32, #tpu.memory_space<vmem>>, %arg6: memref<256x1xi32, #tpu.memory_space<vmem>>, %arg7: memref<1x8192xf32, #tpu.memory_space<vmem>>, %arg8: memref<1x1xf32, #tpu.memory_space<vmem>>) attributes {dimension_semantics = [#tpu.dimension_semantics<arbitrary>], iteration_bounds = array<i64: 64>, scalar_prefetch = 0 : i64, scratch_operands = 0 : i64, tpu.core_type = #tpu.core_type<tc>, window_params = [{transform_indices = @transform_0, window_bounds = array<i64: 256, 256>}, {transform_indices = @transform_1, window_bounds = array<i64: 256, 1>}, {pipeline_mode = #tpu.pipeline_mode<synchronous>, transform_indices = @transform_2, window_bounds = array<i64: 256, 8192>}, {pipeline_mode = #tpu.pipeline_mode<synchronous>, transform_indices = @transform_3, window_bounds = array<i64: 1, 8192>}, {transform_indices = @transform_4, window_bounds = array<i64: 256, 8192>}, {transform_indices = @transform_5, window_bounds = array<i64: 256, 1>}, {pipeline_mode = #tpu.pipeline_mode<synchronous>, transform_indices = @transform_6, window_bounds = array<i64: 1, 8192>}, {pipeline_mode = #tpu.pipeline_mode<synchronous>, transform_indices = @transform_7, window_bounds = array<i64: 1, 1>}]} {
    %get3A = arith.constant 0 : index
    %get3A_0 = arith.constant 0 : index
    %get3A_1 = vector.load %arg1[%get3A, %get3A_0] : memref<256x256xbf16, #tpu.memory_space<vmem>>, vector<256x256xbf16>
    %get3A_2 = arith.constant 0 : index
    %get3A_3 = arith.constant 0 : index
    %get3A_4 = vector.load %arg2[%get3A_2, %get3A_3] : memref<256x1xf32, #tpu.memory_space<vmem>>, vector<256x1xf32>
    %broadcast_in_dim3A = arith.constant 0x7F800000 : f32
    %broadcast_in_dim3A_5 = vector.broadcast %broadcast_in_dim3A : f32 to vector<256x1xf32>
    %broadcast_in_dim3A_6 = arith.constant 0 : i32
    %broadcast_in_dim3A_7 = vector.broadcast %broadcast_in_dim3A_6 : i32 to vector<256x1xi32>
    %iota3A = tpu.iota {dimensions = array<i32: 1>} : vector<256x512xi32>
    %get3A_8 = arith.constant 0 : index
    %get3A_9 = arith.constant 0 : index
    %get3A_10 = vector.load %arg3[%get3A_8, %get3A_9] : memref<256x8192xbf16, #tpu.memory_space<vmem>>, vector<256x512xbf16>
    %get3A_11 = arith.constant 0 : index
    %get3A_12 = arith.constant 0 : index
    %get3A_13 = vector.load %arg4[%get3A_11, %get3A_12] : memref<1x8192xf32, #tpu.memory_space<vmem>>, vector<1x512xf32>
    %dot_general3A = arith.constant dense<0.000000e+00> : vector<256x512xf32>
    %dot_general3A_14 = tpu.matmul %get3A_1, %get3A_10, %dot_general3A {dimension_numbers = #tpu.dot_dimension_numbers<[1], [0], [0], [1], [0, 0, 1, 1], [], []>, transpose_lhs_hint = false} : vector<256x256xbf16>, vector<256x512xbf16>, vector<256x512xf32> -> vector<256x512xf32>
    %add3A = vector.broadcast %get3A_4 : vector<256x1xf32> to vector<256x512xf32>
    %add3A_15 = vector.broadcast %get3A_13 : vector<1x512xf32> to vector<256x512xf32>
    %add3A_16 = arith.addf %add3A, %add3A_15 : vector<256x512xf32>
    %mul3A = arith.constant 2.000000e+00 : f32
    %mul3A_17 = vector.broadcast %mul3A : f32 to vector<256x512xf32>
    %mul3A_18 = arith.mulf %mul3A_17, %dot_general3A_14 : vector<256x512xf32>
    %sub3A = arith.subf %add3A_16, %mul3A_18 : vector<256x512xf32>
    %reduce_min3A = arith.constant dense<0x7F800000> : vector<256xf32>
    %reduce_min3A_19 = vector.multi_reduction <minimumf>, %sub3A, %reduce_min3A [1] : vector<256x512xf32> to vector<256xf32>
    %broadcast_in_dim3A_20 = vector.shape_cast %reduce_min3A_19 : vector<256xf32> to vector<256x1xf32>
    %eq3A = vector.broadcast %broadcast_in_dim3A_20 : vector<256x1xf32> to vector<256x512xf32>
    %eq3A_21 = arith.cmpf oeq, %sub3A, %eq3A : vector<256x512xf32>
    %add3A_22 = arith.constant 0 : i32
    %add3A_23 = vector.broadcast %add3A_22 : i32 to vector<256x512xi32>
    %add3A_24 = arith.addi %iota3A, %add3A_23 : vector<256x512xi32>
    %jit3A = arith.constant 1073741824 : i32
    %broadcast_in_dim3A_25 = vector.broadcast %jit3A : i32 to vector<256x512xi32>
    %select_n3A = arith.select %eq3A_21, %add3A_24, %broadcast_in_dim3A_25 : vector<256x512xi1>, vector<256x512xi32>
    %reduce_min3A_26 = arith.constant dense<2147483647> : vector<256xi32>
    %reduce_min3A_27 = vector.multi_reduction <minsi>, %select_n3A, %reduce_min3A_26 [1] : vector<256x512xi32> to vector<256xi32>
    %broadcast_in_dim3A_28 = vector.shape_cast %reduce_min3A_27 : vector<256xi32> to vector<256x1xi32>
    %lt3A = arith.cmpf olt, %broadcast_in_dim3A_20, %broadcast_in_dim3A_5 : vector<256x1xf32>
    %select_n3A_29 = arith.select %lt3A, %broadcast_in_dim3A_28, %broadcast_in_dim3A_7 : vector<256x1xi1>, vector<256x1xi32>
    %select_n3A_30 = arith.select %lt3A, %broadcast_in_dim3A_20, %broadcast_in_dim3A_5 : vector<256x1xi1>, vector<256x1xf32>
    %get3A_31 = arith.constant 0 : index
    %get3A_32 = arith.constant 512 : index
    %get3A_33 = vector.load %arg3[%get3A_31, %get3A_32] : memref<256x8192xbf16, #tpu.memory_space<vmem>>, vector<256x512xbf16>
    %get3A_34 = arith.constant 0 : index
    %get3A_35 = arith.constant 512 : index
    %get3A_36 = vector.load %arg4[%get3A_34, %get3A_35] : memref<1x8192xf32, #tpu.memory_space<vmem>>, vector<1x512xf32>
    %dot_general3A_37 = arith.constant dense<0.000000e+00> : vector<256x512xf32>
    %dot_general3A_38 = tpu.matmul %get3A_1, %get3A_33, %dot_general3A_37 {dimension_numbers = #tpu.dot_dimension_numbers<[1], [0], [0], [1], [0, 0, 1, 1], [], []>, transpose_lhs_hint = false} : vector<256x256xbf16>, vector<256x512xbf16>, vector<256x512xf32> -> vector<256x512xf32>
    %add3A_39 = vector.broadcast %get3A_4 : vector<256x1xf32> to vector<256x512xf32>
    %add3A_40 = vector.broadcast %get3A_36 : vector<1x512xf32> to vector<256x512xf32>
    %add3A_41 = arith.addf %add3A_39, %add3A_40 : vector<256x512xf32>
    %mul3A_42 = arith.constant 2.000000e+00 : f32
    %mul3A_43 = vector.broadcast %mul3A_42 : f32 to vector<256x512xf32>
    %mul3A_44 = arith.mulf %mul3A_43, %dot_general3A_38 : vector<256x512xf32>
    %sub3A_45 = arith.subf %add3A_41, %mul3A_44 : vector<256x512xf32>
    %reduce_min3A_46 = arith.constant dense<0x7F800000> : vector<256xf32>
    %reduce_min3A_47 = vector.multi_reduction <minimumf>, %sub3A_45, %reduce_min3A_46 [1] : vector<256x512xf32> to vector<256xf32>
    %broadcast_in_dim3A_48 = vector.shape_cast %reduce_min3A_47 : vector<256xf32> to vector<256x1xf32>
    %eq3A_49 = vector.broadcast %broadcast_in_dim3A_48 : vector<256x1xf32> to vector<256x512xf32>
    %eq3A_50 = arith.cmpf oeq, %sub3A_45, %eq3A_49 : vector<256x512xf32>
    %add3A_51 = arith.constant 512 : i32
    %add3A_52 = vector.broadcast %add3A_51 : i32 to vector<256x512xi32>
    %add3A_53 = arith.addi %iota3A, %add3A_52 : vector<256x512xi32>
    %jit3A_54 = arith.constant 1073741824 : i32
    %broadcast_in_dim3A_55 = vector.broadcast %jit3A_54 : i32 to vector<256x512xi32>
    %select_n3A_56 = arith.select %eq3A_50, %add3A_53, %broadcast_in_dim3A_55 : vector<256x512xi1>, vector<256x512xi32>
    %reduce_min3A_57 = arith.constant dense<2147483647> : vector<256xi32>
    %reduce_min3A_58 = vector.multi_reduction <minsi>, %select_n3A_56, %reduce_min3A_57 [1] : vector<256x512xi32> to vector<256xi32>
    %broadcast_in_dim3A_59 = vector.shape_cast %reduce_min3A_58 : vector<256xi32> to vector<256x1xi32>
    %lt3A_60 = arith.cmpf olt, %broadcast_in_dim3A_48, %select_n3A_30 : vector<256x1xf32>
    %select_n3A_61 = arith.select %lt3A_60, %broadcast_in_dim3A_59, %select_n3A_29 : vector<256x1xi1>, vector<256x1xi32>
    %select_n3A_62 = arith.select %lt3A_60, %broadcast_in_dim3A_48, %select_n3A_30 : vector<256x1xi1>, vector<256x1xf32>
    %get3A_63 = arith.constant 0 : index
    %get3A_64 = arith.constant 1024 : index
    %get3A_65 = vector.load %arg3[%get3A_63, %get3A_64] : memref<256x8192xbf16, #tpu.memory_space<vmem>>, vector<256x512xbf16>
    %get3A_66 = arith.constant 0 : index
    %get3A_67 = arith.constant 1024 : index
    %get3A_68 = vector.load %arg4[%get3A_66, %get3A_67] : memref<1x8192xf32, #tpu.memory_space<vmem>>, vector<1x512xf32>
    %dot_general3A_69 = arith.constant dense<0.000000e+00> : vector<256x512xf32>
    %dot_general3A_70 = tpu.matmul %get3A_1, %get3A_65, %dot_general3A_69 {dimension_numbers = #tpu.dot_dimension_numbers<[1], [0], [0], [1], [0, 0, 1, 1], [], []>, transpose_lhs_hint = false} : vector<256x256xbf16>, vector<256x512xbf16>, vector<256x512xf32> -> vector<256x512xf32>
    %add3A_71 = vector.broadcast %get3A_4 : vector<256x1xf32> to vector<256x512xf32>
    %add3A_72 = vector.broadcast %get3A_68 : vector<1x512xf32> to vector<256x512xf32>
    %add3A_73 = arith.addf %add3A_71, %add3A_72 : vector<256x512xf32>
    %mul3A_74 = arith.constant 2.000000e+00 : f32
    %mul3A_75 = vector.broadcast %mul3A_74 : f32 to vector<256x512xf32>
    %mul3A_76 = arith.mulf %mul3A_75, %dot_general3A_70 : vector<256x512xf32>
    %sub3A_77 = arith.subf %add3A_73, %mul3A_76 : vector<256x512xf32>
    %reduce_min3A_78 = arith.constant dense<0x7F800000> : vector<256xf32>
    %reduce_min3A_79 = vector.multi_reduction <minimumf>, %sub3A_77, %reduce_min3A_78 [1] : vector<256x512xf32> to vector<256xf32>
    %broadcast_in_dim3A_80 = vector.shape_cast %reduce_min3A_79 : vector<256xf32> to vector<256x1xf32>
    %eq3A_81 = vector.broadcast %broadcast_in_dim3A_80 : vector<256x1xf32> to vector<256x512xf32>
    %eq3A_82 = arith.cmpf oeq, %sub3A_77, %eq3A_81 : vector<256x512xf32>
    %add3A_83 = arith.constant 1024 : i32
    %add3A_84 = vector.broadcast %add3A_83 : i32 to vector<256x512xi32>
    %add3A_85 = arith.addi %iota3A, %add3A_84 : vector<256x512xi32>
    %jit3A_86 = arith.constant 1073741824 : i32
    %broadcast_in_dim3A_87 = vector.broadcast %jit3A_86 : i32 to vector<256x512xi32>
    %select_n3A_88 = arith.select %eq3A_82, %add3A_85, %broadcast_in_dim3A_87 : vector<256x512xi1>, vector<256x512xi32>
    %reduce_min3A_89 = arith.constant dense<2147483647> : vector<256xi32>
    %reduce_min3A_90 = vector.multi_reduction <minsi>, %select_n3A_88, %reduce_min3A_89 [1] : vector<256x512xi32> to vector<256xi32>
    %broadcast_in_dim3A_91 = vector.shape_cast %reduce_min3A_90 : vector<256xi32> to vector<256x1xi32>
    %lt3A_92 = arith.cmpf olt, %broadcast_in_dim3A_80, %select_n3A_62 : vector<256x1xf32>
    %select_n3A_93 = arith.select %lt3A_92, %broadcast_in_dim3A_91, %select_n3A_61 : vector<256x1xi1>, vector<256x1xi32>
    %select_n3A_94 = arith.select %lt3A_92, %broadcast_in_dim3A_80, %select_n3A_62 : vector<256x1xi1>, vector<256x1xf32>
    %get3A_95 = arith.constant 0 : index
    %get3A_96 = arith.constant 1536 : index
    %get3A_97 = vector.load %arg3[%get3A_95, %get3A_96] : memref<256x8192xbf16, #tpu.memory_space<vmem>>, vector<256x512xbf16>
    %get3A_98 = arith.constant 0 : index
    %get3A_99 = arith.constant 1536 : index
    %get3A_100 = vector.load %arg4[%get3A_98, %get3A_99] : memref<1x8192xf32, #tpu.memory_space<vmem>>, vector<1x512xf32>
    %dot_general3A_101 = arith.constant dense<0.000000e+00> : vector<256x512xf32>
    %dot_general3A_102 = tpu.matmul %get3A_1, %get3A_97, %dot_general3A_101 {dimension_numbers = #tpu.dot_dimension_numbers<[1], [0], [0], [1], [0, 0, 1, 1], [], []>, transpose_lhs_hint = false} : vector<256x256xbf16>, vector<256x512xbf16>, vector<256x512xf32> -> vector<256x512xf32>
    %add3A_103 = vector.broadcast %get3A_4 : vector<256x1xf32> to vector<256x512xf32>
    %add3A_104 = vector.broadcast %get3A_100 : vector<1x512xf32> to vector<256x512xf32>
    %add3A_105 = arith.addf %add3A_103, %add3A_104 : vector<256x512xf32>
    %mul3A_106 = arith.constant 2.000000e+00 : f32
    %mul3A_107 = vector.broadcast %mul3A_106 : f32 to vector<256x512xf32>
    %mul3A_108 = arith.mulf %mul3A_107, %dot_general3A_102 : vector<256x512xf32>
    %sub3A_109 = arith.subf %add3A_105, %mul3A_108 : vector<256x512xf32>
    %reduce_min3A_110 = arith.constant dense<0x7F800000> : vector<256xf32>
    %reduce_min3A_111 = vector.multi_reduction <minimumf>, %sub3A_109, %reduce_min3A_110 [1] : vector<256x512xf32> to vector<256xf32>
    %broadcast_in_dim3A_112 = vector.shape_cast %reduce_min3A_111 : vector<256xf32> to vector<256x1xf32>
    %eq3A_113 = vector.broadcast %broadcast_in_dim3A_112 : vector<256x1xf32> to vector<256x512xf32>
    %eq3A_114 = arith.cmpf oeq, %sub3A_109, %eq3A_113 : vector<256x512xf32>
    %add3A_115 = arith.constant 1536 : i32
    %add3A_116 = vector.broadcast %add3A_115 : i32 to vector<256x512xi32>
    %add3A_117 = arith.addi %iota3A, %add3A_116 : vector<256x512xi32>
    %jit3A_118 = arith.constant 1073741824 : i32
    %broadcast_in_dim3A_119 = vector.broadcast %jit3A_118 : i32 to vector<256x512xi32>
    %select_n3A_120 = arith.select %eq3A_114, %add3A_117, %broadcast_in_dim3A_119 : vector<256x512xi1>, vector<256x512xi32>
    %reduce_min3A_121 = arith.constant dense<2147483647> : vector<256xi32>
    %reduce_min3A_122 = vector.multi_reduction <minsi>, %select_n3A_120, %reduce_min3A_121 [1] : vector<256x512xi32> to vector<256xi32>
    %broadcast_in_dim3A_123 = vector.shape_cast %reduce_min3A_122 : vector<256xi32> to vector<256x1xi32>
    %lt3A_124 = arith.cmpf olt, %broadcast_in_dim3A_112, %select_n3A_94 : vector<256x1xf32>
    %select_n3A_125 = arith.select %lt3A_124, %broadcast_in_dim3A_123, %select_n3A_93 : vector<256x1xi1>, vector<256x1xi32>
    %select_n3A_126 = arith.select %lt3A_124, %broadcast_in_dim3A_112, %select_n3A_94 : vector<256x1xi1>, vector<256x1xf32>
    %get3A_127 = arith.constant 0 : index
    %get3A_128 = arith.constant 2048 : index
    %get3A_129 = vector.load %arg3[%get3A_127, %get3A_128] : memref<256x8192xbf16, #tpu.memory_space<vmem>>, vector<256x512xbf16>
    %get3A_130 = arith.constant 0 : index
    %get3A_131 = arith.constant 2048 : index
    %get3A_132 = vector.load %arg4[%get3A_130, %get3A_131] : memref<1x8192xf32, #tpu.memory_space<vmem>>, vector<1x512xf32>
    %dot_general3A_133 = arith.constant dense<0.000000e+00> : vector<256x512xf32>
    %dot_general3A_134 = tpu.matmul %get3A_1, %get3A_129, %dot_general3A_133 {dimension_numbers = #tpu.dot_dimension_numbers<[1], [0], [0], [1], [0, 0, 1, 1], [], []>, transpose_lhs_hint = false} : vector<256x256xbf16>, vector<256x512xbf16>, vector<256x512xf32> -> vector<256x512xf32>
    %add3A_135 = vector.broadcast %get3A_4 : vector<256x1xf32> to vector<256x512xf32>
    %add3A_136 = vector.broadcast %get3A_132 : vector<1x512xf32> to vector<256x512xf32>
    %add3A_137 = arith.addf %add3A_135, %add3A_136 : vector<256x512xf32>
    %mul3A_138 = arith.constant 2.000000e+00 : f32
    %mul3A_139 = vector.broadcast %mul3A_138 : f32 to vector<256x512xf32>
    %mul3A_140 = arith.mulf %mul3A_139, %dot_general3A_134 : vector<256x512xf32>
    %sub3A_141 = arith.subf %add3A_137, %mul3A_140 : vector<256x512xf32>
    %reduce_min3A_142 = arith.constant dense<0x7F800000> : vector<256xf32>
    %reduce_min3A_143 = vector.multi_reduction <minimumf>, %sub3A_141, %reduce_min3A_142 [1] : vector<256x512xf32> to vector<256xf32>
    %broadcast_in_dim3A_144 = vector.shape_cast %reduce_min3A_143 : vector<256xf32> to vector<256x1xf32>
    %eq3A_145 = vector.broadcast %broadcast_in_dim3A_144 : vector<256x1xf32> to vector<256x512xf32>
    %eq3A_146 = arith.cmpf oeq, %sub3A_141, %eq3A_145 : vector<256x512xf32>
    %add3A_147 = arith.constant 2048 : i32
    %add3A_148 = vector.broadcast %add3A_147 : i32 to vector<256x512xi32>
    %add3A_149 = arith.addi %iota3A, %add3A_148 : vector<256x512xi32>
    %jit3A_150 = arith.constant 1073741824 : i32
    %broadcast_in_dim3A_151 = vector.broadcast %jit3A_150 : i32 to vector<256x512xi32>
    %select_n3A_152 = arith.select %eq3A_146, %add3A_149, %broadcast_in_dim3A_151 : vector<256x512xi1>, vector<256x512xi32>
    %reduce_min3A_153 = arith.constant dense<2147483647> : vector<256xi32>
    %reduce_min3A_154 = vector.multi_reduction <minsi>, %select_n3A_152, %reduce_min3A_153 [1] : vector<256x512xi32> to vector<256xi32>
    %broadcast_in_dim3A_155 = vector.shape_cast %reduce_min3A_154 : vector<256xi32> to vector<256x1xi32>
    %lt3A_156 = arith.cmpf olt, %broadcast_in_dim3A_144, %select_n3A_126 : vector<256x1xf32>
    %select_n3A_157 = arith.select %lt3A_156, %broadcast_in_dim3A_155, %select_n3A_125 : vector<256x1xi1>, vector<256x1xi32>
    %select_n3A_158 = arith.select %lt3A_156, %broadcast_in_dim3A_144, %select_n3A_126 : vector<256x1xi1>, vector<256x1xf32>
    %get3A_159 = arith.constant 0 : index
    %get3A_160 = arith.constant 2560 : index
    %get3A_161 = vector.load %arg3[%get3A_159, %get3A_160] : memref<256x8192xbf16, #tpu.memory_space<vmem>>, vector<256x512xbf16>
    %get3A_162 = arith.constant 0 : index
    %get3A_163 = arith.constant 2560 : index
    %get3A_164 = vector.load %arg4[%get3A_162, %get3A_163] : memref<1x8192xf32, #tpu.memory_space<vmem>>, vector<1x512xf32>
    %dot_general3A_165 = arith.constant dense<0.000000e+00> : vector<256x512xf32>
    %dot_general3A_166 = tpu.matmul %get3A_1, %get3A_161, %dot_general3A_165 {dimension_numbers = #tpu.dot_dimension_numbers<[1], [0], [0], [1], [0, 0, 1, 1], [], []>, transpose_lhs_hint = false} : vector<256x256xbf16>, vector<256x512xbf16>, vector<256x512xf32> -> vector<256x512xf32>
    %add3A_167 = vector.broadcast %get3A_4 : vector<256x1xf32> to vector<256x512xf32>
    %add3A_168 = vector.broadcast %get3A_164 : vector<1x512xf32> to vector<256x512xf32>
    %add3A_169 = arith.addf %add3A_167, %add3A_168 : vector<256x512xf32>
    %mul3A_170 = arith.constant 2.000000e+00 : f32
    %mul3A_171 = vector.broadcast %mul3A_170 : f32 to vector<256x512xf32>
    %mul3A_172 = arith.mulf %mul3A_171, %dot_general3A_166 : vector<256x512xf32>
    %sub3A_173 = arith.subf %add3A_169, %mul3A_172 : vector<256x512xf32>
    %reduce_min3A_174 = arith.constant dense<0x7F800000> : vector<256xf32>
    %reduce_min3A_175 = vector.multi_reduction <minimumf>, %sub3A_173, %reduce_min3A_174 [1] : vector<256x512xf32> to vector<256xf32>
    %broadcast_in_dim3A_176 = vector.shape_cast %reduce_min3A_175 : vector<256xf32> to vector<256x1xf32>
    %eq3A_177 = vector.broadcast %broadcast_in_dim3A_176 : vector<256x1xf32> to vector<256x512xf32>
    %eq3A_178 = arith.cmpf oeq, %sub3A_173, %eq3A_177 : vector<256x512xf32>
    %add3A_179 = arith.constant 2560 : i32
    %add3A_180 = vector.broadcast %add3A_179 : i32 to vector<256x512xi32>
    %add3A_181 = arith.addi %iota3A, %add3A_180 : vector<256x512xi32>
    %jit3A_182 = arith.constant 1073741824 : i32
    %broadcast_in_dim3A_183 = vector.broadcast %jit3A_182 : i32 to vector<256x512xi32>
    %select_n3A_184 = arith.select %eq3A_178, %add3A_181, %broadcast_in_dim3A_183 : vector<256x512xi1>, vector<256x512xi32>
    %reduce_min3A_185 = arith.constant dense<2147483647> : vector<256xi32>
    %reduce_min3A_186 = vector.multi_reduction <minsi>, %select_n3A_184, %reduce_min3A_185 [1] : vector<256x512xi32> to vector<256xi32>
    %broadcast_in_dim3A_187 = vector.shape_cast %reduce_min3A_186 : vector<256xi32> to vector<256x1xi32>
    %lt3A_188 = arith.cmpf olt, %broadcast_in_dim3A_176, %select_n3A_158 : vector<256x1xf32>
    %select_n3A_189 = arith.select %lt3A_188, %broadcast_in_dim3A_187, %select_n3A_157 : vector<256x1xi1>, vector<256x1xi32>
    %select_n3A_190 = arith.select %lt3A_188, %broadcast_in_dim3A_176, %select_n3A_158 : vector<256x1xi1>, vector<256x1xf32>
    %get3A_191 = arith.constant 0 : index
    %get3A_192 = arith.constant 3072 : index
    %get3A_193 = vector.load %arg3[%get3A_191, %get3A_192] : memref<256x8192xbf16, #tpu.memory_space<vmem>>, vector<256x512xbf16>
    %get3A_194 = arith.constant 0 : index
    %get3A_195 = arith.constant 3072 : index
    %get3A_196 = vector.load %arg4[%get3A_194, %get3A_195] : memref<1x8192xf32, #tpu.memory_space<vmem>>, vector<1x512xf32>
    %dot_general3A_197 = arith.constant dense<0.000000e+00> : vector<256x512xf32>
    %dot_general3A_198 = tpu.matmul %get3A_1, %get3A_193, %dot_general3A_197 {dimension_numbers = #tpu.dot_dimension_numbers<[1], [0], [0], [1], [0, 0, 1, 1], [], []>, transpose_lhs_hint = false} : vector<256x256xbf16>, vector<256x512xbf16>, vector<256x512xf32> -> vector<256x512xf32>
    %add3A_199 = vector.broadcast %get3A_4 : vector<256x1xf32> to vector<256x512xf32>
    %add3A_200 = vector.broadcast %get3A_196 : vector<1x512xf32> to vector<256x512xf32>
    %add3A_201 = arith.addf %add3A_199, %add3A_200 : vector<256x512xf32>
    %mul3A_202 = arith.constant 2.000000e+00 : f32
    %mul3A_203 = vector.broadcast %mul3A_202 : f32 to vector<256x512xf32>
    %mul3A_204 = arith.mulf %mul3A_203, %dot_general3A_198 : vector<256x512xf32>
    %sub3A_205 = arith.subf %add3A_201, %mul3A_204 : vector<256x512xf32>
    %reduce_min3A_206 = arith.constant dense<0x7F800000> : vector<256xf32>
    %reduce_min3A_207 = vector.multi_reduction <minimumf>, %sub3A_205, %reduce_min3A_206 [1] : vector<256x512xf32> to vector<256xf32>
    %broadcast_in_dim3A_208 = vector.shape_cast %reduce_min3A_207 : vector<256xf32> to vector<256x1xf32>
    %eq3A_209 = vector.broadcast %broadcast_in_dim3A_208 : vector<256x1xf32> to vector<256x512xf32>
    %eq3A_210 = arith.cmpf oeq, %sub3A_205, %eq3A_209 : vector<256x512xf32>
    %add3A_211 = arith.constant 3072 : i32
    %add3A_212 = vector.broadcast %add3A_211 : i32 to vector<256x512xi32>
    %add3A_213 = arith.addi %iota3A, %add3A_212 : vector<256x512xi32>
    %jit3A_214 = arith.constant 1073741824 : i32
    %broadcast_in_dim3A_215 = vector.broadcast %jit3A_214 : i32 to vector<256x512xi32>
    %select_n3A_216 = arith.select %eq3A_210, %add3A_213, %broadcast_in_dim3A_215 : vector<256x512xi1>, vector<256x512xi32>
    %reduce_min3A_217 = arith.constant dense<2147483647> : vector<256xi32>
    %reduce_min3A_218 = vector.multi_reduction <minsi>, %select_n3A_216, %reduce_min3A_217 [1] : vector<256x512xi32> to vector<256xi32>
    %broadcast_in_dim3A_219 = vector.shape_cast %reduce_min3A_218 : vector<256xi32> to vector<256x1xi32>
    %lt3A_220 = arith.cmpf olt, %broadcast_in_dim3A_208, %select_n3A_190 : vector<256x1xf32>
    %select_n3A_221 = arith.select %lt3A_220, %broadcast_in_dim3A_219, %select_n3A_189 : vector<256x1xi1>, vector<256x1xi32>
    %select_n3A_222 = arith.select %lt3A_220, %broadcast_in_dim3A_208, %select_n3A_190 : vector<256x1xi1>, vector<256x1xf32>
    %get3A_223 = arith.constant 0 : index
    %get3A_224 = arith.constant 3584 : index
    %get3A_225 = vector.load %arg3[%get3A_223, %get3A_224] : memref<256x8192xbf16, #tpu.memory_space<vmem>>, vector<256x512xbf16>
    %get3A_226 = arith.constant 0 : index
    %get3A_227 = arith.constant 3584 : index
    %get3A_228 = vector.load %arg4[%get3A_226, %get3A_227] : memref<1x8192xf32, #tpu.memory_space<vmem>>, vector<1x512xf32>
    %dot_general3A_229 = arith.constant dense<0.000000e+00> : vector<256x512xf32>
    %dot_general3A_230 = tpu.matmul %get3A_1, %get3A_225, %dot_general3A_229 {dimension_numbers = #tpu.dot_dimension_numbers<[1], [0], [0], [1], [0, 0, 1, 1], [], []>, transpose_lhs_hint = false} : vector<256x256xbf16>, vector<256x512xbf16>, vector<256x512xf32> -> vector<256x512xf32>
    %add3A_231 = vector.broadcast %get3A_4 : vector<256x1xf32> to vector<256x512xf32>
    %add3A_232 = vector.broadcast %get3A_228 : vector<1x512xf32> to vector<256x512xf32>
    %add3A_233 = arith.addf %add3A_231, %add3A_232 : vector<256x512xf32>
    %mul3A_234 = arith.constant 2.000000e+00 : f32
    %mul3A_235 = vector.broadcast %mul3A_234 : f32 to vector<256x512xf32>
    %mul3A_236 = arith.mulf %mul3A_235, %dot_general3A_230 : vector<256x512xf32>
    %sub3A_237 = arith.subf %add3A_233, %mul3A_236 : vector<256x512xf32>
    %reduce_min3A_238 = arith.constant dense<0x7F800000> : vector<256xf32>
    %reduce_min3A_239 = vector.multi_reduction <minimumf>, %sub3A_237, %reduce_min3A_238 [1] : vector<256x512xf32> to vector<256xf32>
    %broadcast_in_dim3A_240 = vector.shape_cast %reduce_min3A_239 : vector<256xf32> to vector<256x1xf32>
    %eq3A_241 = vector.broadcast %broadcast_in_dim3A_240 : vector<256x1xf32> to vector<256x512xf32>
    %eq3A_242 = arith.cmpf oeq, %sub3A_237, %eq3A_241 : vector<256x512xf32>
    %add3A_243 = arith.constant 3584 : i32
    %add3A_244 = vector.broadcast %add3A_243 : i32 to vector<256x512xi32>
    %add3A_245 = arith.addi %iota3A, %add3A_244 : vector<256x512xi32>
    %jit3A_246 = arith.constant 1073741824 : i32
    %broadcast_in_dim3A_247 = vector.broadcast %jit3A_246 : i32 to vector<256x512xi32>
    %select_n3A_248 = arith.select %eq3A_242, %add3A_245, %broadcast_in_dim3A_247 : vector<256x512xi1>, vector<256x512xi32>
    %reduce_min3A_249 = arith.constant dense<2147483647> : vector<256xi32>
    %reduce_min3A_250 = vector.multi_reduction <minsi>, %select_n3A_248, %reduce_min3A_249 [1] : vector<256x512xi32> to vector<256xi32>
    %broadcast_in_dim3A_251 = vector.shape_cast %reduce_min3A_250 : vector<256xi32> to vector<256x1xi32>
    %lt3A_252 = arith.cmpf olt, %broadcast_in_dim3A_240, %select_n3A_222 : vector<256x1xf32>
    %select_n3A_253 = arith.select %lt3A_252, %broadcast_in_dim3A_251, %select_n3A_221 : vector<256x1xi1>, vector<256x1xi32>
    %select_n3A_254 = arith.select %lt3A_252, %broadcast_in_dim3A_240, %select_n3A_222 : vector<256x1xi1>, vector<256x1xf32>
    %get3A_255 = arith.constant 0 : index
    %get3A_256 = arith.constant 4096 : index
    %get3A_257 = vector.load %arg3[%get3A_255, %get3A_256] : memref<256x8192xbf16, #tpu.memory_space<vmem>>, vector<256x512xbf16>
    %get3A_258 = arith.constant 0 : index
    %get3A_259 = arith.constant 4096 : index
    %get3A_260 = vector.load %arg4[%get3A_258, %get3A_259] : memref<1x8192xf32, #tpu.memory_space<vmem>>, vector<1x512xf32>
    %dot_general3A_261 = arith.constant dense<0.000000e+00> : vector<256x512xf32>
    %dot_general3A_262 = tpu.matmul %get3A_1, %get3A_257, %dot_general3A_261 {dimension_numbers = #tpu.dot_dimension_numbers<[1], [0], [0], [1], [0, 0, 1, 1], [], []>, transpose_lhs_hint = false} : vector<256x256xbf16>, vector<256x512xbf16>, vector<256x512xf32> -> vector<256x512xf32>
    %add3A_263 = vector.broadcast %get3A_4 : vector<256x1xf32> to vector<256x512xf32>
    %add3A_264 = vector.broadcast %get3A_260 : vector<1x512xf32> to vector<256x512xf32>
    %add3A_265 = arith.addf %add3A_263, %add3A_264 : vector<256x512xf32>
    %mul3A_266 = arith.constant 2.000000e+00 : f32
    %mul3A_267 = vector.broadcast %mul3A_266 : f32 to vector<256x512xf32>
    %mul3A_268 = arith.mulf %mul3A_267, %dot_general3A_262 : vector<256x512xf32>
    %sub3A_269 = arith.subf %add3A_265, %mul3A_268 : vector<256x512xf32>
    %reduce_min3A_270 = arith.constant dense<0x7F800000> : vector<256xf32>
    %reduce_min3A_271 = vector.multi_reduction <minimumf>, %sub3A_269, %reduce_min3A_270 [1] : vector<256x512xf32> to vector<256xf32>
    %broadcast_in_dim3A_272 = vector.shape_cast %reduce_min3A_271 : vector<256xf32> to vector<256x1xf32>
    %eq3A_273 = vector.broadcast %broadcast_in_dim3A_272 : vector<256x1xf32> to vector<256x512xf32>
    %eq3A_274 = arith.cmpf oeq, %sub3A_269, %eq3A_273 : vector<256x512xf32>
    %add3A_275 = arith.constant 4096 : i32
    %add3A_276 = vector.broadcast %add3A_275 : i32 to vector<256x512xi32>
    %add3A_277 = arith.addi %iota3A, %add3A_276 : vector<256x512xi32>
    %jit3A_278 = arith.constant 1073741824 : i32
    %broadcast_in_dim3A_279 = vector.broadcast %jit3A_278 : i32 to vector<256x512xi32>
    %select_n3A_280 = arith.select %eq3A_274, %add3A_277, %broadcast_in_dim3A_279 : vector<256x512xi1>, vector<256x512xi32>
    %reduce_min3A_281 = arith.constant dense<2147483647> : vector<256xi32>
    %reduce_min3A_282 = vector.multi_reduction <minsi>, %select_n3A_280, %reduce_min3A_281 [1] : vector<256x512xi32> to vector<256xi32>
    %broadcast_in_dim3A_283 = vector.shape_cast %reduce_min3A_282 : vector<256xi32> to vector<256x1xi32>
    %lt3A_284 = arith.cmpf olt, %broadcast_in_dim3A_272, %select_n3A_254 : vector<256x1xf32>
    %select_n3A_285 = arith.select %lt3A_284, %broadcast_in_dim3A_283, %select_n3A_253 : vector<256x1xi1>, vector<256x1xi32>
    %select_n3A_286 = arith.select %lt3A_284, %broadcast_in_dim3A_272, %select_n3A_254 : vector<256x1xi1>, vector<256x1xf32>
    %get3A_287 = arith.constant 0 : index
    %get3A_288 = arith.constant 4608 : index
    %get3A_289 = vector.load %arg3[%get3A_287, %get3A_288] : memref<256x8192xbf16, #tpu.memory_space<vmem>>, vector<256x512xbf16>
    %get3A_290 = arith.constant 0 : index
    %get3A_291 = arith.constant 4608 : index
    %get3A_292 = vector.load %arg4[%get3A_290, %get3A_291] : memref<1x8192xf32, #tpu.memory_space<vmem>>, vector<1x512xf32>
    %dot_general3A_293 = arith.constant dense<0.000000e+00> : vector<256x512xf32>
    %dot_general3A_294 = tpu.matmul %get3A_1, %get3A_289, %dot_general3A_293 {dimension_numbers = #tpu.dot_dimension_numbers<[1], [0], [0], [1], [0, 0, 1, 1], [], []>, transpose_lhs_hint = false} : vector<256x256xbf16>, vector<256x512xbf16>, vector<256x512xf32> -> vector<256x512xf32>
    %add3A_295 = vector.broadcast %get3A_4 : vector<256x1xf32> to vector<256x512xf32>
    %add3A_296 = vector.broadcast %get3A_292 : vector<1x512xf32> to vector<256x512xf32>
    %add3A_297 = arith.addf %add3A_295, %add3A_296 : vector<256x512xf32>
    %mul3A_298 = arith.constant 2.000000e+00 : f32
    %mul3A_299 = vector.broadcast %mul3A_298 : f32 to vector<256x512xf32>
    %mul3A_300 = arith.mulf %mul3A_299, %dot_general3A_294 : vector<256x512xf32>
    %sub3A_301 = arith.subf %add3A_297, %mul3A_300 : vector<256x512xf32>
    %reduce_min3A_302 = arith.constant dense<0x7F800000> : vector<256xf32>
    %reduce_min3A_303 = vector.multi_reduction <minimumf>, %sub3A_301, %reduce_min3A_302 [1] : vector<256x512xf32> to vector<256xf32>
    %broadcast_in_dim3A_304 = vector.shape_cast %reduce_min3A_303 : vector<256xf32> to vector<256x1xf32>
    %eq3A_305 = vector.broadcast %broadcast_in_dim3A_304 : vector<256x1xf32> to vector<256x512xf32>
    %eq3A_306 = arith.cmpf oeq, %sub3A_301, %eq3A_305 : vector<256x512xf32>
    %add3A_307 = arith.constant 4608 : i32
    %add3A_308 = vector.broadcast %add3A_307 : i32 to vector<256x512xi32>
    %add3A_309 = arith.addi %iota3A, %add3A_308 : vector<256x512xi32>
    %jit3A_310 = arith.constant 1073741824 : i32
    %broadcast_in_dim3A_311 = vector.broadcast %jit3A_310 : i32 to vector<256x512xi32>
    %select_n3A_312 = arith.select %eq3A_306, %add3A_309, %broadcast_in_dim3A_311 : vector<256x512xi1>, vector<256x512xi32>
    %reduce_min3A_313 = arith.constant dense<2147483647> : vector<256xi32>
    %reduce_min3A_314 = vector.multi_reduction <minsi>, %select_n3A_312, %reduce_min3A_313 [1] : vector<256x512xi32> to vector<256xi32>
    %broadcast_in_dim3A_315 = vector.shape_cast %reduce_min3A_314 : vector<256xi32> to vector<256x1xi32>
    %lt3A_316 = arith.cmpf olt, %broadcast_in_dim3A_304, %select_n3A_286 : vector<256x1xf32>
    %select_n3A_317 = arith.select %lt3A_316, %broadcast_in_dim3A_315, %select_n3A_285 : vector<256x1xi1>, vector<256x1xi32>
    %select_n3A_318 = arith.select %lt3A_316, %broadcast_in_dim3A_304, %select_n3A_286 : vector<256x1xi1>, vector<256x1xf32>
    %get3A_319 = arith.constant 0 : index
    %get3A_320 = arith.constant 5120 : index
    %get3A_321 = vector.load %arg3[%get3A_319, %get3A_320] : memref<256x8192xbf16, #tpu.memory_space<vmem>>, vector<256x512xbf16>
    %get3A_322 = arith.constant 0 : index
    %get3A_323 = arith.constant 5120 : index
    %get3A_324 = vector.load %arg4[%get3A_322, %get3A_323] : memref<1x8192xf32, #tpu.memory_space<vmem>>, vector<1x512xf32>
    %dot_general3A_325 = arith.constant dense<0.000000e+00> : vector<256x512xf32>
    %dot_general3A_326 = tpu.matmul %get3A_1, %get3A_321, %dot_general3A_325 {dimension_numbers = #tpu.dot_dimension_numbers<[1], [0], [0], [1], [0, 0, 1, 1], [], []>, transpose_lhs_hint = false} : vector<256x256xbf16>, vector<256x512xbf16>, vector<256x512xf32> -> vector<256x512xf32>
    %add3A_327 = vector.broadcast %get3A_4 : vector<256x1xf32> to vector<256x512xf32>
    %add3A_328 = vector.broadcast %get3A_324 : vector<1x512xf32> to vector<256x512xf32>
    %add3A_329 = arith.addf %add3A_327, %add3A_328 : vector<256x512xf32>
    %mul3A_330 = arith.constant 2.000000e+00 : f32
    %mul3A_331 = vector.broadcast %mul3A_330 : f32 to vector<256x512xf32>
    %mul3A_332 = arith.mulf %mul3A_331, %dot_general3A_326 : vector<256x512xf32>
    %sub3A_333 = arith.subf %add3A_329, %mul3A_332 : vector<256x512xf32>
    %reduce_min3A_334 = arith.constant dense<0x7F800000> : vector<256xf32>
    %reduce_min3A_335 = vector.multi_reduction <minimumf>, %sub3A_333, %reduce_min3A_334 [1] : vector<256x512xf32> to vector<256xf32>
    %broadcast_in_dim3A_336 = vector.shape_cast %reduce_min3A_335 : vector<256xf32> to vector<256x1xf32>
    %eq3A_337 = vector.broadcast %broadcast_in_dim3A_336 : vector<256x1xf32> to vector<256x512xf32>
    %eq3A_338 = arith.cmpf oeq, %sub3A_333, %eq3A_337 : vector<256x512xf32>
    %add3A_339 = arith.constant 5120 : i32
    %add3A_340 = vector.broadcast %add3A_339 : i32 to vector<256x512xi32>
    %add3A_341 = arith.addi %iota3A, %add3A_340 : vector<256x512xi32>
    %jit3A_342 = arith.constant 1073741824 : i32
    %broadcast_in_dim3A_343 = vector.broadcast %jit3A_342 : i32 to vector<256x512xi32>
    %select_n3A_344 = arith.select %eq3A_338, %add3A_341, %broadcast_in_dim3A_343 : vector<256x512xi1>, vector<256x512xi32>
    %reduce_min3A_345 = arith.constant dense<2147483647> : vector<256xi32>
    %reduce_min3A_346 = vector.multi_reduction <minsi>, %select_n3A_344, %reduce_min3A_345 [1] : vector<256x512xi32> to vector<256xi32>
    %broadcast_in_dim3A_347 = vector.shape_cast %reduce_min3A_346 : vector<256xi32> to vector<256x1xi32>
    %lt3A_348 = arith.cmpf olt, %broadcast_in_dim3A_336, %select_n3A_318 : vector<256x1xf32>
    %select_n3A_349 = arith.select %lt3A_348, %broadcast_in_dim3A_347, %select_n3A_317 : vector<256x1xi1>, vector<256x1xi32>
    %select_n3A_350 = arith.select %lt3A_348, %broadcast_in_dim3A_336, %select_n3A_318 : vector<256x1xi1>, vector<256x1xf32>
    %get3A_351 = arith.constant 0 : index
    %get3A_352 = arith.constant 5632 : index
    %get3A_353 = vector.load %arg3[%get3A_351, %get3A_352] : memref<256x8192xbf16, #tpu.memory_space<vmem>>, vector<256x512xbf16>
    %get3A_354 = arith.constant 0 : index
    %get3A_355 = arith.constant 5632 : index
    %get3A_356 = vector.load %arg4[%get3A_354, %get3A_355] : memref<1x8192xf32, #tpu.memory_space<vmem>>, vector<1x512xf32>
    %dot_general3A_357 = arith.constant dense<0.000000e+00> : vector<256x512xf32>
    %dot_general3A_358 = tpu.matmul %get3A_1, %get3A_353, %dot_general3A_357 {dimension_numbers = #tpu.dot_dimension_numbers<[1], [0], [0], [1], [0, 0, 1, 1], [], []>, transpose_lhs_hint = false} : vector<256x256xbf16>, vector<256x512xbf16>, vector<256x512xf32> -> vector<256x512xf32>
    %add3A_359 = vector.broadcast %get3A_4 : vector<256x1xf32> to vector<256x512xf32>
    %add3A_360 = vector.broadcast %get3A_356 : vector<1x512xf32> to vector<256x512xf32>
    %add3A_361 = arith.addf %add3A_359, %add3A_360 : vector<256x512xf32>
    %mul3A_362 = arith.constant 2.000000e+00 : f32
    %mul3A_363 = vector.broadcast %mul3A_362 : f32 to vector<256x512xf32>
    %mul3A_364 = arith.mulf %mul3A_363, %dot_general3A_358 : vector<256x512xf32>
    %sub3A_365 = arith.subf %add3A_361, %mul3A_364 : vector<256x512xf32>
    %reduce_min3A_366 = arith.constant dense<0x7F800000> : vector<256xf32>
    %reduce_min3A_367 = vector.multi_reduction <minimumf>, %sub3A_365, %reduce_min3A_366 [1] : vector<256x512xf32> to vector<256xf32>
    %broadcast_in_dim3A_368 = vector.shape_cast %reduce_min3A_367 : vector<256xf32> to vector<256x1xf32>
    %eq3A_369 = vector.broadcast %broadcast_in_dim3A_368 : vector<256x1xf32> to vector<256x512xf32>
    %eq3A_370 = arith.cmpf oeq, %sub3A_365, %eq3A_369 : vector<256x512xf32>
    %add3A_371 = arith.constant 5632 : i32
    %add3A_372 = vector.broadcast %add3A_371 : i32 to vector<256x512xi32>
    %add3A_373 = arith.addi %iota3A, %add3A_372 : vector<256x512xi32>
    %jit3A_374 = arith.constant 1073741824 : i32
    %broadcast_in_dim3A_375 = vector.broadcast %jit3A_374 : i32 to vector<256x512xi32>
    %select_n3A_376 = arith.select %eq3A_370, %add3A_373, %broadcast_in_dim3A_375 : vector<256x512xi1>, vector<256x512xi32>
    %reduce_min3A_377 = arith.constant dense<2147483647> : vector<256xi32>
    %reduce_min3A_378 = vector.multi_reduction <minsi>, %select_n3A_376, %reduce_min3A_377 [1] : vector<256x512xi32> to vector<256xi32>
    %broadcast_in_dim3A_379 = vector.shape_cast %reduce_min3A_378 : vector<256xi32> to vector<256x1xi32>
    %lt3A_380 = arith.cmpf olt, %broadcast_in_dim3A_368, %select_n3A_350 : vector<256x1xf32>
    %select_n3A_381 = arith.select %lt3A_380, %broadcast_in_dim3A_379, %select_n3A_349 : vector<256x1xi1>, vector<256x1xi32>
    %select_n3A_382 = arith.select %lt3A_380, %broadcast_in_dim3A_368, %select_n3A_350 : vector<256x1xi1>, vector<256x1xf32>
    %get3A_383 = arith.constant 0 : index
    %get3A_384 = arith.constant 6144 : index
    %get3A_385 = vector.load %arg3[%get3A_383, %get3A_384] : memref<256x8192xbf16, #tpu.memory_space<vmem>>, vector<256x512xbf16>
    %get3A_386 = arith.constant 0 : index
    %get3A_387 = arith.constant 6144 : index
    %get3A_388 = vector.load %arg4[%get3A_386, %get3A_387] : memref<1x8192xf32, #tpu.memory_space<vmem>>, vector<1x512xf32>
    %dot_general3A_389 = arith.constant dense<0.000000e+00> : vector<256x512xf32>
    %dot_general3A_390 = tpu.matmul %get3A_1, %get3A_385, %dot_general3A_389 {dimension_numbers = #tpu.dot_dimension_numbers<[1], [0], [0], [1], [0, 0, 1, 1], [], []>, transpose_lhs_hint = false} : vector<256x256xbf16>, vector<256x512xbf16>, vector<256x512xf32> -> vector<256x512xf32>
    %add3A_391 = vector.broadcast %get3A_4 : vector<256x1xf32> to vector<256x512xf32>
    %add3A_392 = vector.broadcast %get3A_388 : vector<1x512xf32> to vector<256x512xf32>
    %add3A_393 = arith.addf %add3A_391, %add3A_392 : vector<256x512xf32>
    %mul3A_394 = arith.constant 2.000000e+00 : f32
    %mul3A_395 = vector.broadcast %mul3A_394 : f32 to vector<256x512xf32>
    %mul3A_396 = arith.mulf %mul3A_395, %dot_general3A_390 : vector<256x512xf32>
    %sub3A_397 = arith.subf %add3A_393, %mul3A_396 : vector<256x512xf32>
    %reduce_min3A_398 = arith.constant dense<0x7F800000> : vector<256xf32>
    %reduce_min3A_399 = vector.multi_reduction <minimumf>, %sub3A_397, %reduce_min3A_398 [1] : vector<256x512xf32> to vector<256xf32>
    %broadcast_in_dim3A_400 = vector.shape_cast %reduce_min3A_399 : vector<256xf32> to vector<256x1xf32>
    %eq3A_401 = vector.broadcast %broadcast_in_dim3A_400 : vector<256x1xf32> to vector<256x512xf32>
    %eq3A_402 = arith.cmpf oeq, %sub3A_397, %eq3A_401 : vector<256x512xf32>
    %add3A_403 = arith.constant 6144 : i32
    %add3A_404 = vector.broadcast %add3A_403 : i32 to vector<256x512xi32>
    %add3A_405 = arith.addi %iota3A, %add3A_404 : vector<256x512xi32>
    %jit3A_406 = arith.constant 1073741824 : i32
    %broadcast_in_dim3A_407 = vector.broadcast %jit3A_406 : i32 to vector<256x512xi32>
    %select_n3A_408 = arith.select %eq3A_402, %add3A_405, %broadcast_in_dim3A_407 : vector<256x512xi1>, vector<256x512xi32>
    %reduce_min3A_409 = arith.constant dense<2147483647> : vector<256xi32>
    %reduce_min3A_410 = vector.multi_reduction <minsi>, %select_n3A_408, %reduce_min3A_409 [1] : vector<256x512xi32> to vector<256xi32>
    %broadcast_in_dim3A_411 = vector.shape_cast %reduce_min3A_410 : vector<256xi32> to vector<256x1xi32>
    %lt3A_412 = arith.cmpf olt, %broadcast_in_dim3A_400, %select_n3A_382 : vector<256x1xf32>
    %select_n3A_413 = arith.select %lt3A_412, %broadcast_in_dim3A_411, %select_n3A_381 : vector<256x1xi1>, vector<256x1xi32>
    %select_n3A_414 = arith.select %lt3A_412, %broadcast_in_dim3A_400, %select_n3A_382 : vector<256x1xi1>, vector<256x1xf32>
    %get3A_415 = arith.constant 0 : index
    %get3A_416 = arith.constant 6656 : index
    %get3A_417 = vector.load %arg3[%get3A_415, %get3A_416] : memref<256x8192xbf16, #tpu.memory_space<vmem>>, vector<256x512xbf16>
    %get3A_418 = arith.constant 0 : index
    %get3A_419 = arith.constant 6656 : index
    %get3A_420 = vector.load %arg4[%get3A_418, %get3A_419] : memref<1x8192xf32, #tpu.memory_space<vmem>>, vector<1x512xf32>
    %dot_general3A_421 = arith.constant dense<0.000000e+00> : vector<256x512xf32>
    %dot_general3A_422 = tpu.matmul %get3A_1, %get3A_417, %dot_general3A_421 {dimension_numbers = #tpu.dot_dimension_numbers<[1], [0], [0], [1], [0, 0, 1, 1], [], []>, transpose_lhs_hint = false} : vector<256x256xbf16>, vector<256x512xbf16>, vector<256x512xf32> -> vector<256x512xf32>
    %add3A_423 = vector.broadcast %get3A_4 : vector<256x1xf32> to vector<256x512xf32>
    %add3A_424 = vector.broadcast %get3A_420 : vector<1x512xf32> to vector<256x512xf32>
    %add3A_425 = arith.addf %add3A_423, %add3A_424 : vector<256x512xf32>
    %mul3A_426 = arith.constant 2.000000e+00 : f32
    %mul3A_427 = vector.broadcast %mul3A_426 : f32 to vector<256x512xf32>
    %mul3A_428 = arith.mulf %mul3A_427, %dot_general3A_422 : vector<256x512xf32>
    %sub3A_429 = arith.subf %add3A_425, %mul3A_428 : vector<256x512xf32>
    %reduce_min3A_430 = arith.constant dense<0x7F800000> : vector<256xf32>
    %reduce_min3A_431 = vector.multi_reduction <minimumf>, %sub3A_429, %reduce_min3A_430 [1] : vector<256x512xf32> to vector<256xf32>
    %broadcast_in_dim3A_432 = vector.shape_cast %reduce_min3A_431 : vector<256xf32> to vector<256x1xf32>
    %eq3A_433 = vector.broadcast %broadcast_in_dim3A_432 : vector<256x1xf32> to vector<256x512xf32>
    %eq3A_434 = arith.cmpf oeq, %sub3A_429, %eq3A_433 : vector<256x512xf32>
    %add3A_435 = arith.constant 6656 : i32
    %add3A_436 = vector.broadcast %add3A_435 : i32 to vector<256x512xi32>
    %add3A_437 = arith.addi %iota3A, %add3A_436 : vector<256x512xi32>
    %jit3A_438 = arith.constant 1073741824 : i32
    %broadcast_in_dim3A_439 = vector.broadcast %jit3A_438 : i32 to vector<256x512xi32>
    %select_n3A_440 = arith.select %eq3A_434, %add3A_437, %broadcast_in_dim3A_439 : vector<256x512xi1>, vector<256x512xi32>
    %reduce_min3A_441 = arith.constant dense<2147483647> : vector<256xi32>
    %reduce_min3A_442 = vector.multi_reduction <minsi>, %select_n3A_440, %reduce_min3A_441 [1] : vector<256x512xi32> to vector<256xi32>
    %broadcast_in_dim3A_443 = vector.shape_cast %reduce_min3A_442 : vector<256xi32> to vector<256x1xi32>
    %lt3A_444 = arith.cmpf olt, %broadcast_in_dim3A_432, %select_n3A_414 : vector<256x1xf32>
    %select_n3A_445 = arith.select %lt3A_444, %broadcast_in_dim3A_443, %select_n3A_413 : vector<256x1xi1>, vector<256x1xi32>
    %select_n3A_446 = arith.select %lt3A_444, %broadcast_in_dim3A_432, %select_n3A_414 : vector<256x1xi1>, vector<256x1xf32>
    %get3A_447 = arith.constant 0 : index
    %get3A_448 = arith.constant 7168 : index
    %get3A_449 = vector.load %arg3[%get3A_447, %get3A_448] : memref<256x8192xbf16, #tpu.memory_space<vmem>>, vector<256x512xbf16>
    %get3A_450 = arith.constant 0 : index
    %get3A_451 = arith.constant 7168 : index
    %get3A_452 = vector.load %arg4[%get3A_450, %get3A_451] : memref<1x8192xf32, #tpu.memory_space<vmem>>, vector<1x512xf32>
    %dot_general3A_453 = arith.constant dense<0.000000e+00> : vector<256x512xf32>
    %dot_general3A_454 = tpu.matmul %get3A_1, %get3A_449, %dot_general3A_453 {dimension_numbers = #tpu.dot_dimension_numbers<[1], [0], [0], [1], [0, 0, 1, 1], [], []>, transpose_lhs_hint = false} : vector<256x256xbf16>, vector<256x512xbf16>, vector<256x512xf32> -> vector<256x512xf32>
    %add3A_455 = vector.broadcast %get3A_4 : vector<256x1xf32> to vector<256x512xf32>
    %add3A_456 = vector.broadcast %get3A_452 : vector<1x512xf32> to vector<256x512xf32>
    %add3A_457 = arith.addf %add3A_455, %add3A_456 : vector<256x512xf32>
    %mul3A_458 = arith.constant 2.000000e+00 : f32
    %mul3A_459 = vector.broadcast %mul3A_458 : f32 to vector<256x512xf32>
    %mul3A_460 = arith.mulf %mul3A_459, %dot_general3A_454 : vector<256x512xf32>
    %sub3A_461 = arith.subf %add3A_457, %mul3A_460 : vector<256x512xf32>
    %reduce_min3A_462 = arith.constant dense<0x7F800000> : vector<256xf32>
    %reduce_min3A_463 = vector.multi_reduction <minimumf>, %sub3A_461, %reduce_min3A_462 [1] : vector<256x512xf32> to vector<256xf32>
    %broadcast_in_dim3A_464 = vector.shape_cast %reduce_min3A_463 : vector<256xf32> to vector<256x1xf32>
    %eq3A_465 = vector.broadcast %broadcast_in_dim3A_464 : vector<256x1xf32> to vector<256x512xf32>
    %eq3A_466 = arith.cmpf oeq, %sub3A_461, %eq3A_465 : vector<256x512xf32>
    %add3A_467 = arith.constant 7168 : i32
    %add3A_468 = vector.broadcast %add3A_467 : i32 to vector<256x512xi32>
    %add3A_469 = arith.addi %iota3A, %add3A_468 : vector<256x512xi32>
    %jit3A_470 = arith.constant 1073741824 : i32
    %broadcast_in_dim3A_471 = vector.broadcast %jit3A_470 : i32 to vector<256x512xi32>
    %select_n3A_472 = arith.select %eq3A_466, %add3A_469, %broadcast_in_dim3A_471 : vector<256x512xi1>, vector<256x512xi32>
    %reduce_min3A_473 = arith.constant dense<2147483647> : vector<256xi32>
    %reduce_min3A_474 = vector.multi_reduction <minsi>, %select_n3A_472, %reduce_min3A_473 [1] : vector<256x512xi32> to vector<256xi32>
    %broadcast_in_dim3A_475 = vector.shape_cast %reduce_min3A_474 : vector<256xi32> to vector<256x1xi32>
    %lt3A_476 = arith.cmpf olt, %broadcast_in_dim3A_464, %select_n3A_446 : vector<256x1xf32>
    %select_n3A_477 = arith.select %lt3A_476, %broadcast_in_dim3A_475, %select_n3A_445 : vector<256x1xi1>, vector<256x1xi32>
    %select_n3A_478 = arith.select %lt3A_476, %broadcast_in_dim3A_464, %select_n3A_446 : vector<256x1xi1>, vector<256x1xf32>
    %get3A_479 = arith.constant 0 : index
    %get3A_480 = arith.constant 7680 : index
    %get3A_481 = vector.load %arg3[%get3A_479, %get3A_480] : memref<256x8192xbf16, #tpu.memory_space<vmem>>, vector<256x512xbf16>
    %get3A_482 = arith.constant 0 : index
    %get3A_483 = arith.constant 7680 : index
    %get3A_484 = vector.load %arg4[%get3A_482, %get3A_483] : memref<1x8192xf32, #tpu.memory_space<vmem>>, vector<1x512xf32>
    %dot_general3A_485 = arith.constant dense<0.000000e+00> : vector<256x512xf32>
    %dot_general3A_486 = tpu.matmul %get3A_1, %get3A_481, %dot_general3A_485 {dimension_numbers = #tpu.dot_dimension_numbers<[1], [0], [0], [1], [0, 0, 1, 1], [], []>, transpose_lhs_hint = false} : vector<256x256xbf16>, vector<256x512xbf16>, vector<256x512xf32> -> vector<256x512xf32>
    %add3A_487 = vector.broadcast %get3A_4 : vector<256x1xf32> to vector<256x512xf32>
    %add3A_488 = vector.broadcast %get3A_484 : vector<1x512xf32> to vector<256x512xf32>
    %add3A_489 = arith.addf %add3A_487, %add3A_488 : vector<256x512xf32>
    %mul3A_490 = arith.constant 2.000000e+00 : f32
    %mul3A_491 = vector.broadcast %mul3A_490 : f32 to vector<256x512xf32>
    %mul3A_492 = arith.mulf %mul3A_491, %dot_general3A_486 : vector<256x512xf32>
    %sub3A_493 = arith.subf %add3A_489, %mul3A_492 : vector<256x512xf32>
    %reduce_min3A_494 = arith.constant dense<0x7F800000> : vector<256xf32>
    %reduce_min3A_495 = vector.multi_reduction <minimumf>, %sub3A_493, %reduce_min3A_494 [1] : vector<256x512xf32> to vector<256xf32>
    %broadcast_in_dim3A_496 = vector.shape_cast %reduce_min3A_495 : vector<256xf32> to vector<256x1xf32>
    %eq3A_497 = vector.broadcast %broadcast_in_dim3A_496 : vector<256x1xf32> to vector<256x512xf32>
    %eq3A_498 = arith.cmpf oeq, %sub3A_493, %eq3A_497 : vector<256x512xf32>
    %add3A_499 = arith.constant 7680 : i32
    %add3A_500 = vector.broadcast %add3A_499 : i32 to vector<256x512xi32>
    %add3A_501 = arith.addi %iota3A, %add3A_500 : vector<256x512xi32>
    %jit3A_502 = arith.constant 1073741824 : i32
    %broadcast_in_dim3A_503 = vector.broadcast %jit3A_502 : i32 to vector<256x512xi32>
    %select_n3A_504 = arith.select %eq3A_498, %add3A_501, %broadcast_in_dim3A_503 : vector<256x512xi1>, vector<256x512xi32>
    %reduce_min3A_505 = arith.constant dense<2147483647> : vector<256xi32>
    %reduce_min3A_506 = vector.multi_reduction <minsi>, %select_n3A_504, %reduce_min3A_505 [1] : vector<256x512xi32> to vector<256xi32>
    %broadcast_in_dim3A_507 = vector.shape_cast %reduce_min3A_506 : vector<256xi32> to vector<256x1xi32>
    %lt3A_508 = arith.cmpf olt, %broadcast_in_dim3A_496, %select_n3A_478 : vector<256x1xf32>
    %select_n3A_509 = arith.select %lt3A_508, %broadcast_in_dim3A_507, %select_n3A_477 : vector<256x1xi1>, vector<256x1xi32>
    %select_n3A_510 = arith.select %lt3A_508, %broadcast_in_dim3A_496, %select_n3A_478 : vector<256x1xi1>, vector<256x1xf32>
    %swap3A = arith.constant 0 : index
    %swap3A_511 = arith.constant 0 : index
    %swap3A_512 = vector.load %arg6[%swap3A, %swap3A_511] : memref<256x1xi32, #tpu.memory_space<vmem>>, vector<256x1xi32>
    tpu.vector_store %arg6[%swap3A, %swap3A_511], %select_n3A_509 {strides = array<i32>} : memref<256x1xi32, #tpu.memory_space<vmem>>, vector<256x1xi32>,
    %eq3A_513 = arith.constant 0 : i32
    %eq3A_514 = arith.cmpi eq, %arg0, %eq3A_513 : i32
    %convert_element_type3A = arith.extui %eq3A_514 : i1 to i32
    %cond3A = arith.constant 0 : i32
    %cond3A_515 = arith.cmpi ne, %convert_element_type3A, %cond3A : i32
    scf.if %cond3A_515 {
      %broadcast_in_dim3A_848 = arith.constant 0.000000e+00 : f32
      %broadcast_in_dim3A_849 = vector.broadcast %broadcast_in_dim3A_848 : f32 to vector<1x8192xf32>
      %swap3A_850 = arith.constant 0 : index
      %swap3A_851 = arith.constant 0 : index
      %swap3A_852 = vector.load %arg7[%swap3A_850, %swap3A_851] : memref<1x8192xf32, #tpu.memory_space<vmem>>, vector<1x8192xf32>
      tpu.vector_store %arg7[%swap3A_850, %swap3A_851], %broadcast_in_dim3A_849 {strides = array<i32>} : memref<1x8192xf32, #tpu.memory_space<vmem>>, vector<1x8192xf32>,
      %broadcast_in_dim3A_853 = arith.constant 0.000000e+00 : f32
      %broadcast_in_dim3A_854 = vector.broadcast %broadcast_in_dim3A_853 : f32 to vector<1x1xf32>
      %swap3A_855 = arith.constant 0 : index
      %swap3A_856 = arith.constant 0 : index
      %swap3A_857 = vector.load %arg8[%swap3A_855, %swap3A_856] : memref<1x1xf32, #tpu.memory_space<vmem>>, vector<1x1xf32>
      tpu.vector_store %arg8[%swap3A_855, %swap3A_856], %broadcast_in_dim3A_854 {strides = array<i32>} : memref<1x1xf32, #tpu.memory_space<vmem>>, vector<1x1xf32>,
    } else {
    }
    %get3A_516 = arith.constant 0 : index
    %get3A_517 = arith.constant 0 : index
    %get3A_518 = vector.load %arg8[%get3A_516, %get3A_517] : memref<1x1xf32, #tpu.memory_space<vmem>>, vector<1x1xf32>
    %reduce_sum3A = vector.shape_cast %select_n3A_510 : vector<256x1xf32> to vector<1x256x1xf32>
    %reduce_sum3A_519 = arith.constant dense<0.000000e+00> : vector<1xf32>
    %reduce_sum3A_520 = vector.multi_reduction <add>, %reduce_sum3A, %reduce_sum3A_519 [1, 2] : vector<1x256x1xf32> to vector<1xf32>
    %reduce_sum3A_521 = vector.shape_cast %reduce_sum3A_520 : vector<1xf32> to vector<1x1x1xf32>
    %reduce_sum3A_522 = vector.extract %reduce_sum3A_521[0, 0, 0] : f32 from vector<1x1x1xf32>
    %broadcast_in_dim3A_523 = vector.broadcast %reduce_sum3A_522 : f32 to vector<1x1xf32>
    %add3A_524 = arith.addf %get3A_518, %broadcast_in_dim3A_523 : vector<1x1xf32>
    %swap3A_525 = arith.constant 0 : index
    %swap3A_526 = arith.constant 0 : index
    %swap3A_527 = vector.load %arg8[%swap3A_525, %swap3A_526] : memref<1x1xf32, #tpu.memory_space<vmem>>, vector<1x1xf32>
    tpu.vector_store %arg8[%swap3A_525, %swap3A_526], %add3A_524 {strides = array<i32>} : memref<1x1xf32, #tpu.memory_space<vmem>>, vector<1x1xf32>,
    %add3A_528 = arith.constant 0 : i32
    %add3A_529 = vector.broadcast %add3A_528 : i32 to vector<256x512xi32>
    %add3A_530 = arith.addi %iota3A, %add3A_529 : vector<256x512xi32>
    %eq3A_531 = vector.broadcast %select_n3A_509 : vector<256x1xi32> to vector<256x512xi32>
    %eq3A_532 = arith.cmpi eq, %eq3A_531, %add3A_530 : vector<256x512xi32>
    %convert_element_type3A_533 = arith.extui %eq3A_532 : vector<256x512xi1> to vector<256x512xi32>
    %convert_element_type3A_534 = arith.sitofp %convert_element_type3A_533 : vector<256x512xi32> to vector<256x512xf32>
    %swap3A_535 = arith.constant 0 : index
    %swap3A_536 = arith.constant 0 : index
    %swap3A_537 = vector.load %arg5[%swap3A_535, %swap3A_536] : memref<256x8192xf32, #tpu.memory_space<vmem>>, vector<256x512xf32>
    tpu.vector_store %arg5[%swap3A_535, %swap3A_536], %convert_element_type3A_534 {strides = array<i32>} : memref<256x8192xf32, #tpu.memory_space<vmem>>, vector<256x512xf32>,
    %get3A_538 = arith.constant 0 : index
    %get3A_539 = arith.constant 0 : index
    %get3A_540 = vector.load %arg7[%get3A_538, %get3A_539] : memref<1x8192xf32, #tpu.memory_space<vmem>>, vector<1x512xf32>
    %reduce_sum3A_541 = arith.constant dense<0.000000e+00> : vector<512xf32>
    %reduce_sum3A_542 = vector.multi_reduction <add>, %convert_element_type3A_534, %reduce_sum3A_541 [0] : vector<256x512xf32> to vector<512xf32>
    %broadcast_in_dim3A_543 = vector.shape_cast %reduce_sum3A_542 : vector<512xf32> to vector<1x512xf32>
    %add3A_544 = arith.addf %get3A_540, %broadcast_in_dim3A_543 : vector<1x512xf32>
    %swap3A_545 = arith.constant 0 : index
    %swap3A_546 = arith.constant 0 : index
    %swap3A_547 = vector.load %arg7[%swap3A_545, %swap3A_546] : memref<1x8192xf32, #tpu.memory_space<vmem>>, vector<1x512xf32>
    tpu.vector_store %arg7[%swap3A_545, %swap3A_546], %add3A_544 {strides = array<i32>} : memref<1x8192xf32, #tpu.memory_space<vmem>>, vector<1x512xf32>,
    %add3A_548 = arith.constant 512 : i32
    %add3A_549 = vector.broadcast %add3A_548 : i32 to vector<256x512xi32>
    %add3A_550 = arith.addi %iota3A, %add3A_549 : vector<256x512xi32>
    %eq3A_551 = vector.broadcast %select_n3A_509 : vector<256x1xi32> to vector<256x512xi32>
    %eq3A_552 = arith.cmpi eq, %eq3A_551, %add3A_550 : vector<256x512xi32>
    %convert_element_type3A_553 = arith.extui %eq3A_552 : vector<256x512xi1> to vector<256x512xi32>
    %convert_element_type3A_554 = arith.sitofp %convert_element_type3A_553 : vector<256x512xi32> to vector<256x512xf32>
    %swap3A_555 = arith.constant 0 : index
    %swap3A_556 = arith.constant 512 : index
    %swap3A_557 = vector.load %arg5[%swap3A_555, %swap3A_556] : memref<256x8192xf32, #tpu.memory_space<vmem>>, vector<256x512xf32>
    tpu.vector_store %arg5[%swap3A_555, %swap3A_556], %convert_element_type3A_554 {strides = array<i32>} : memref<256x8192xf32, #tpu.memory_space<vmem>>, vector<256x512xf32>,
    %get3A_558 = arith.constant 0 : index
    %get3A_559 = arith.constant 512 : index
    %get3A_560 = vector.load %arg7[%get3A_558, %get3A_559] : memref<1x8192xf32, #tpu.memory_space<vmem>>, vector<1x512xf32>
    %reduce_sum3A_561 = arith.constant dense<0.000000e+00> : vector<512xf32>
    %reduce_sum3A_562 = vector.multi_reduction <add>, %convert_element_type3A_554, %reduce_sum3A_561 [0] : vector<256x512xf32> to vector<512xf32>
    %broadcast_in_dim3A_563 = vector.shape_cast %reduce_sum3A_562 : vector<512xf32> to vector<1x512xf32>
    %add3A_564 = arith.addf %get3A_560, %broadcast_in_dim3A_563 : vector<1x512xf32>
    %swap3A_565 = arith.constant 0 : index
    %swap3A_566 = arith.constant 512 : index
    %swap3A_567 = vector.load %arg7[%swap3A_565, %swap3A_566] : memref<1x8192xf32, #tpu.memory_space<vmem>>, vector<1x512xf32>
    tpu.vector_store %arg7[%swap3A_565, %swap3A_566], %add3A_564 {strides = array<i32>} : memref<1x8192xf32, #tpu.memory_space<vmem>>, vector<1x512xf32>,
    %add3A_568 = arith.constant 1024 : i32
    %add3A_569 = vector.broadcast %add3A_568 : i32 to vector<256x512xi32>
    %add3A_570 = arith.addi %iota3A, %add3A_569 : vector<256x512xi32>
    %eq3A_571 = vector.broadcast %select_n3A_509 : vector<256x1xi32> to vector<256x512xi32>
    %eq3A_572 = arith.cmpi eq, %eq3A_571, %add3A_570 : vector<256x512xi32>
    %convert_element_type3A_573 = arith.extui %eq3A_572 : vector<256x512xi1> to vector<256x512xi32>
    %convert_element_type3A_574 = arith.sitofp %convert_element_type3A_573 : vector<256x512xi32> to vector<256x512xf32>
    %swap3A_575 = arith.constant 0 : index
    %swap3A_576 = arith.constant 1024 : index
    %swap3A_577 = vector.load %arg5[%swap3A_575, %swap3A_576] : memref<256x8192xf32, #tpu.memory_space<vmem>>, vector<256x512xf32>
    tpu.vector_store %arg5[%swap3A_575, %swap3A_576], %convert_element_type3A_574 {strides = array<i32>} : memref<256x8192xf32, #tpu.memory_space<vmem>>, vector<256x512xf32>,
    %get3A_578 = arith.constant 0 : index
    %get3A_579 = arith.constant 1024 : index
    %get3A_580 = vector.load %arg7[%get3A_578, %get3A_579] : memref<1x8192xf32, #tpu.memory_space<vmem>>, vector<1x512xf32>
    %reduce_sum3A_581 = arith.constant dense<0.000000e+00> : vector<512xf32>
    %reduce_sum3A_582 = vector.multi_reduction <add>, %convert_element_type3A_574, %reduce_sum3A_581 [0] : vector<256x512xf32> to vector<512xf32>
    %broadcast_in_dim3A_583 = vector.shape_cast %reduce_sum3A_582 : vector<512xf32> to vector<1x512xf32>
    %add3A_584 = arith.addf %get3A_580, %broadcast_in_dim3A_583 : vector<1x512xf32>
    %swap3A_585 = arith.constant 0 : index
    %swap3A_586 = arith.constant 1024 : index
    %swap3A_587 = vector.load %arg7[%swap3A_585, %swap3A_586] : memref<1x8192xf32, #tpu.memory_space<vmem>>, vector<1x512xf32>
    tpu.vector_store %arg7[%swap3A_585, %swap3A_586], %add3A_584 {strides = array<i32>} : memref<1x8192xf32, #tpu.memory_space<vmem>>, vector<1x512xf32>,
    %add3A_588 = arith.constant 1536 : i32
    %add3A_589 = vector.broadcast %add3A_588 : i32 to vector<256x512xi32>
    %add3A_590 = arith.addi %iota3A, %add3A_589 : vector<256x512xi32>
    %eq3A_591 = vector.broadcast %select_n3A_509 : vector<256x1xi32> to vector<256x512xi32>
    %eq3A_592 = arith.cmpi eq, %eq3A_591, %add3A_590 : vector<256x512xi32>
    %convert_element_type3A_593 = arith.extui %eq3A_592 : vector<256x512xi1> to vector<256x512xi32>
    %convert_element_type3A_594 = arith.sitofp %convert_element_type3A_593 : vector<256x512xi32> to vector<256x512xf32>
    %swap3A_595 = arith.constant 0 : index
    %swap3A_596 = arith.constant 1536 : index
    %swap3A_597 = vector.load %arg5[%swap3A_595, %swap3A_596] : memref<256x8192xf32, #tpu.memory_space<vmem>>, vector<256x512xf32>
    tpu.vector_store %arg5[%swap3A_595, %swap3A_596], %convert_element_type3A_594 {strides = array<i32>} : memref<256x8192xf32, #tpu.memory_space<vmem>>, vector<256x512xf32>,
    %get3A_598 = arith.constant 0 : index
    %get3A_599 = arith.constant 1536 : index
    %get3A_600 = vector.load %arg7[%get3A_598, %get3A_599] : memref<1x8192xf32, #tpu.memory_space<vmem>>, vector<1x512xf32>
    %reduce_sum3A_601 = arith.constant dense<0.000000e+00> : vector<512xf32>
    %reduce_sum3A_602 = vector.multi_reduction <add>, %convert_element_type3A_594, %reduce_sum3A_601 [0] : vector<256x512xf32> to vector<512xf32>
    %broadcast_in_dim3A_603 = vector.shape_cast %reduce_sum3A_602 : vector<512xf32> to vector<1x512xf32>
    %add3A_604 = arith.addf %get3A_600, %broadcast_in_dim3A_603 : vector<1x512xf32>
    %swap3A_605 = arith.constant 0 : index
    %swap3A_606 = arith.constant 1536 : index
    %swap3A_607 = vector.load %arg7[%swap3A_605, %swap3A_606] : memref<1x8192xf32, #tpu.memory_space<vmem>>, vector<1x512xf32>
    tpu.vector_store %arg7[%swap3A_605, %swap3A_606], %add3A_604 {strides = array<i32>} : memref<1x8192xf32, #tpu.memory_space<vmem>>, vector<1x512xf32>,
    %add3A_608 = arith.constant 2048 : i32
    %add3A_609 = vector.broadcast %add3A_608 : i32 to vector<256x512xi32>
    %add3A_610 = arith.addi %iota3A, %add3A_609 : vector<256x512xi32>
    %eq3A_611 = vector.broadcast %select_n3A_509 : vector<256x1xi32> to vector<256x512xi32>
    %eq3A_612 = arith.cmpi eq, %eq3A_611, %add3A_610 : vector<256x512xi32>
    %convert_element_type3A_613 = arith.extui %eq3A_612 : vector<256x512xi1> to vector<256x512xi32>
    %convert_element_type3A_614 = arith.sitofp %convert_element_type3A_613 : vector<256x512xi32> to vector<256x512xf32>
    %swap3A_615 = arith.constant 0 : index
    %swap3A_616 = arith.constant 2048 : index
    %swap3A_617 = vector.load %arg5[%swap3A_615, %swap3A_616] : memref<256x8192xf32, #tpu.memory_space<vmem>>, vector<256x512xf32>
    tpu.vector_store %arg5[%swap3A_615, %swap3A_616], %convert_element_type3A_614 {strides = array<i32>} : memref<256x8192xf32, #tpu.memory_space<vmem>>, vector<256x512xf32>,
    %get3A_618 = arith.constant 0 : index
    %get3A_619 = arith.constant 2048 : index
    %get3A_620 = vector.load %arg7[%get3A_618, %get3A_619] : memref<1x8192xf32, #tpu.memory_space<vmem>>, vector<1x512xf32>
    %reduce_sum3A_621 = arith.constant dense<0.000000e+00> : vector<512xf32>
    %reduce_sum3A_622 = vector.multi_reduction <add>, %convert_element_type3A_614, %reduce_sum3A_621 [0] : vector<256x512xf32> to vector<512xf32>
    %broadcast_in_dim3A_623 = vector.shape_cast %reduce_sum3A_622 : vector<512xf32> to vector<1x512xf32>
    %add3A_624 = arith.addf %get3A_620, %broadcast_in_dim3A_623 : vector<1x512xf32>
    %swap3A_625 = arith.constant 0 : index
    %swap3A_626 = arith.constant 2048 : index
    %swap3A_627 = vector.load %arg7[%swap3A_625, %swap3A_626] : memref<1x8192xf32, #tpu.memory_space<vmem>>, vector<1x512xf32>
    tpu.vector_store %arg7[%swap3A_625, %swap3A_626], %add3A_624 {strides = array<i32>} : memref<1x8192xf32, #tpu.memory_space<vmem>>, vector<1x512xf32>,
    %add3A_628 = arith.constant 2560 : i32
    %add3A_629 = vector.broadcast %add3A_628 : i32 to vector<256x512xi32>
    %add3A_630 = arith.addi %iota3A, %add3A_629 : vector<256x512xi32>
    %eq3A_631 = vector.broadcast %select_n3A_509 : vector<256x1xi32> to vector<256x512xi32>
    %eq3A_632 = arith.cmpi eq, %eq3A_631, %add3A_630 : vector<256x512xi32>
    %convert_element_type3A_633 = arith.extui %eq3A_632 : vector<256x512xi1> to vector<256x512xi32>
    %convert_element_type3A_634 = arith.sitofp %convert_element_type3A_633 : vector<256x512xi32> to vector<256x512xf32>
    %swap3A_635 = arith.constant 0 : index
    %swap3A_636 = arith.constant 2560 : index
    %swap3A_637 = vector.load %arg5[%swap3A_635, %swap3A_636] : memref<256x8192xf32, #tpu.memory_space<vmem>>, vector<256x512xf32>
    tpu.vector_store %arg5[%swap3A_635, %swap3A_636], %convert_element_type3A_634 {strides = array<i32>} : memref<256x8192xf32, #tpu.memory_space<vmem>>, vector<256x512xf32>,
    %get3A_638 = arith.constant 0 : index
    %get3A_639 = arith.constant 2560 : index
    %get3A_640 = vector.load %arg7[%get3A_638, %get3A_639] : memref<1x8192xf32, #tpu.memory_space<vmem>>, vector<1x512xf32>
    %reduce_sum3A_641 = arith.constant dense<0.000000e+00> : vector<512xf32>
    %reduce_sum3A_642 = vector.multi_reduction <add>, %convert_element_type3A_634, %reduce_sum3A_641 [0] : vector<256x512xf32> to vector<512xf32>
    %broadcast_in_dim3A_643 = vector.shape_cast %reduce_sum3A_642 : vector<512xf32> to vector<1x512xf32>
    %add3A_644 = arith.addf %get3A_640, %broadcast_in_dim3A_643 : vector<1x512xf32>
    %swap3A_645 = arith.constant 0 : index
    %swap3A_646 = arith.constant 2560 : index
    %swap3A_647 = vector.load %arg7[%swap3A_645, %swap3A_646] : memref<1x8192xf32, #tpu.memory_space<vmem>>, vector<1x512xf32>
    tpu.vector_store %arg7[%swap3A_645, %swap3A_646], %add3A_644 {strides = array<i32>} : memref<1x8192xf32, #tpu.memory_space<vmem>>, vector<1x512xf32>,
    %add3A_648 = arith.constant 3072 : i32
    %add3A_649 = vector.broadcast %add3A_648 : i32 to vector<256x512xi32>
    %add3A_650 = arith.addi %iota3A, %add3A_649 : vector<256x512xi32>
    %eq3A_651 = vector.broadcast %select_n3A_509 : vector<256x1xi32> to vector<256x512xi32>
    %eq3A_652 = arith.cmpi eq, %eq3A_651, %add3A_650 : vector<256x512xi32>
    %convert_element_type3A_653 = arith.extui %eq3A_652 : vector<256x512xi1> to vector<256x512xi32>
    %convert_element_type3A_654 = arith.sitofp %convert_element_type3A_653 : vector<256x512xi32> to vector<256x512xf32>
    %swap3A_655 = arith.constant 0 : index
    %swap3A_656 = arith.constant 3072 : index
    %swap3A_657 = vector.load %arg5[%swap3A_655, %swap3A_656] : memref<256x8192xf32, #tpu.memory_space<vmem>>, vector<256x512xf32>
    tpu.vector_store %arg5[%swap3A_655, %swap3A_656], %convert_element_type3A_654 {strides = array<i32>} : memref<256x8192xf32, #tpu.memory_space<vmem>>, vector<256x512xf32>,
    %get3A_658 = arith.constant 0 : index
    %get3A_659 = arith.constant 3072 : index
    %get3A_660 = vector.load %arg7[%get3A_658, %get3A_659] : memref<1x8192xf32, #tpu.memory_space<vmem>>, vector<1x512xf32>
    %reduce_sum3A_661 = arith.constant dense<0.000000e+00> : vector<512xf32>
    %reduce_sum3A_662 = vector.multi_reduction <add>, %convert_element_type3A_654, %reduce_sum3A_661 [0] : vector<256x512xf32> to vector<512xf32>
    %broadcast_in_dim3A_663 = vector.shape_cast %reduce_sum3A_662 : vector<512xf32> to vector<1x512xf32>
    %add3A_664 = arith.addf %get3A_660, %broadcast_in_dim3A_663 : vector<1x512xf32>
    %swap3A_665 = arith.constant 0 : index
    %swap3A_666 = arith.constant 3072 : index
    %swap3A_667 = vector.load %arg7[%swap3A_665, %swap3A_666] : memref<1x8192xf32, #tpu.memory_space<vmem>>, vector<1x512xf32>
    tpu.vector_store %arg7[%swap3A_665, %swap3A_666], %add3A_664 {strides = array<i32>} : memref<1x8192xf32, #tpu.memory_space<vmem>>, vector<1x512xf32>,
    %add3A_668 = arith.constant 3584 : i32
    %add3A_669 = vector.broadcast %add3A_668 : i32 to vector<256x512xi32>
    %add3A_670 = arith.addi %iota3A, %add3A_669 : vector<256x512xi32>
    %eq3A_671 = vector.broadcast %select_n3A_509 : vector<256x1xi32> to vector<256x512xi32>
    %eq3A_672 = arith.cmpi eq, %eq3A_671, %add3A_670 : vector<256x512xi32>
    %convert_element_type3A_673 = arith.extui %eq3A_672 : vector<256x512xi1> to vector<256x512xi32>
    %convert_element_type3A_674 = arith.sitofp %convert_element_type3A_673 : vector<256x512xi32> to vector<256x512xf32>
    %swap3A_675 = arith.constant 0 : index
    %swap3A_676 = arith.constant 3584 : index
    %swap3A_677 = vector.load %arg5[%swap3A_675, %swap3A_676] : memref<256x8192xf32, #tpu.memory_space<vmem>>, vector<256x512xf32>
    tpu.vector_store %arg5[%swap3A_675, %swap3A_676], %convert_element_type3A_674 {strides = array<i32>} : memref<256x8192xf32, #tpu.memory_space<vmem>>, vector<256x512xf32>,
    %get3A_678 = arith.constant 0 : index
    %get3A_679 = arith.constant 3584 : index
    %get3A_680 = vector.load %arg7[%get3A_678, %get3A_679] : memref<1x8192xf32, #tpu.memory_space<vmem>>, vector<1x512xf32>
    %reduce_sum3A_681 = arith.constant dense<0.000000e+00> : vector<512xf32>
    %reduce_sum3A_682 = vector.multi_reduction <add>, %convert_element_type3A_674, %reduce_sum3A_681 [0] : vector<256x512xf32> to vector<512xf32>
    %broadcast_in_dim3A_683 = vector.shape_cast %reduce_sum3A_682 : vector<512xf32> to vector<1x512xf32>
    %add3A_684 = arith.addf %get3A_680, %broadcast_in_dim3A_683 : vector<1x512xf32>
    %swap3A_685 = arith.constant 0 : index
    %swap3A_686 = arith.constant 3584 : index
    %swap3A_687 = vector.load %arg7[%swap3A_685, %swap3A_686] : memref<1x8192xf32, #tpu.memory_space<vmem>>, vector<1x512xf32>
    tpu.vector_store %arg7[%swap3A_685, %swap3A_686], %add3A_684 {strides = array<i32>} : memref<1x8192xf32, #tpu.memory_space<vmem>>, vector<1x512xf32>,
    %add3A_688 = arith.constant 4096 : i32
    %add3A_689 = vector.broadcast %add3A_688 : i32 to vector<256x512xi32>
    %add3A_690 = arith.addi %iota3A, %add3A_689 : vector<256x512xi32>
    %eq3A_691 = vector.broadcast %select_n3A_509 : vector<256x1xi32> to vector<256x512xi32>
    %eq3A_692 = arith.cmpi eq, %eq3A_691, %add3A_690 : vector<256x512xi32>
    %convert_element_type3A_693 = arith.extui %eq3A_692 : vector<256x512xi1> to vector<256x512xi32>
    %convert_element_type3A_694 = arith.sitofp %convert_element_type3A_693 : vector<256x512xi32> to vector<256x512xf32>
    %swap3A_695 = arith.constant 0 : index
    %swap3A_696 = arith.constant 4096 : index
    %swap3A_697 = vector.load %arg5[%swap3A_695, %swap3A_696] : memref<256x8192xf32, #tpu.memory_space<vmem>>, vector<256x512xf32>
    tpu.vector_store %arg5[%swap3A_695, %swap3A_696], %convert_element_type3A_694 {strides = array<i32>} : memref<256x8192xf32, #tpu.memory_space<vmem>>, vector<256x512xf32>,
    %get3A_698 = arith.constant 0 : index
    %get3A_699 = arith.constant 4096 : index
    %get3A_700 = vector.load %arg7[%get3A_698, %get3A_699] : memref<1x8192xf32, #tpu.memory_space<vmem>>, vector<1x512xf32>
    %reduce_sum3A_701 = arith.constant dense<0.000000e+00> : vector<512xf32>
    %reduce_sum3A_702 = vector.multi_reduction <add>, %convert_element_type3A_694, %reduce_sum3A_701 [0] : vector<256x512xf32> to vector<512xf32>
    %broadcast_in_dim3A_703 = vector.shape_cast %reduce_sum3A_702 : vector<512xf32> to vector<1x512xf32>
    %add3A_704 = arith.addf %get3A_700, %broadcast_in_dim3A_703 : vector<1x512xf32>
    %swap3A_705 = arith.constant 0 : index
    %swap3A_706 = arith.constant 4096 : index
    %swap3A_707 = vector.load %arg7[%swap3A_705, %swap3A_706] : memref<1x8192xf32, #tpu.memory_space<vmem>>, vector<1x512xf32>
    tpu.vector_store %arg7[%swap3A_705, %swap3A_706], %add3A_704 {strides = array<i32>} : memref<1x8192xf32, #tpu.memory_space<vmem>>, vector<1x512xf32>,
    %add3A_708 = arith.constant 4608 : i32
    %add3A_709 = vector.broadcast %add3A_708 : i32 to vector<256x512xi32>
    %add3A_710 = arith.addi %iota3A, %add3A_709 : vector<256x512xi32>
    %eq3A_711 = vector.broadcast %select_n3A_509 : vector<256x1xi32> to vector<256x512xi32>
    %eq3A_712 = arith.cmpi eq, %eq3A_711, %add3A_710 : vector<256x512xi32>
    %convert_element_type3A_713 = arith.extui %eq3A_712 : vector<256x512xi1> to vector<256x512xi32>
    %convert_element_type3A_714 = arith.sitofp %convert_element_type3A_713 : vector<256x512xi32> to vector<256x512xf32>
    %swap3A_715 = arith.constant 0 : index
    %swap3A_716 = arith.constant 4608 : index
    %swap3A_717 = vector.load %arg5[%swap3A_715, %swap3A_716] : memref<256x8192xf32, #tpu.memory_space<vmem>>, vector<256x512xf32>
    tpu.vector_store %arg5[%swap3A_715, %swap3A_716], %convert_element_type3A_714 {strides = array<i32>} : memref<256x8192xf32, #tpu.memory_space<vmem>>, vector<256x512xf32>,
    %get3A_718 = arith.constant 0 : index
    %get3A_719 = arith.constant 4608 : index
    %get3A_720 = vector.load %arg7[%get3A_718, %get3A_719] : memref<1x8192xf32, #tpu.memory_space<vmem>>, vector<1x512xf32>
    %reduce_sum3A_721 = arith.constant dense<0.000000e+00> : vector<512xf32>
    %reduce_sum3A_722 = vector.multi_reduction <add>, %convert_element_type3A_714, %reduce_sum3A_721 [0] : vector<256x512xf32> to vector<512xf32>
    %broadcast_in_dim3A_723 = vector.shape_cast %reduce_sum3A_722 : vector<512xf32> to vector<1x512xf32>
    %add3A_724 = arith.addf %get3A_720, %broadcast_in_dim3A_723 : vector<1x512xf32>
    %swap3A_725 = arith.constant 0 : index
    %swap3A_726 = arith.constant 4608 : index
    %swap3A_727 = vector.load %arg7[%swap3A_725, %swap3A_726] : memref<1x8192xf32, #tpu.memory_space<vmem>>, vector<1x512xf32>
    tpu.vector_store %arg7[%swap3A_725, %swap3A_726], %add3A_724 {strides = array<i32>} : memref<1x8192xf32, #tpu.memory_space<vmem>>, vector<1x512xf32>,
    %add3A_728 = arith.constant 5120 : i32
    %add3A_729 = vector.broadcast %add3A_728 : i32 to vector<256x512xi32>
    %add3A_730 = arith.addi %iota3A, %add3A_729 : vector<256x512xi32>
    %eq3A_731 = vector.broadcast %select_n3A_509 : vector<256x1xi32> to vector<256x512xi32>
    %eq3A_732 = arith.cmpi eq, %eq3A_731, %add3A_730 : vector<256x512xi32>
    %convert_element_type3A_733 = arith.extui %eq3A_732 : vector<256x512xi1> to vector<256x512xi32>
    %convert_element_type3A_734 = arith.sitofp %convert_element_type3A_733 : vector<256x512xi32> to vector<256x512xf32>
    %swap3A_735 = arith.constant 0 : index
    %swap3A_736 = arith.constant 5120 : index
    %swap3A_737 = vector.load %arg5[%swap3A_735, %swap3A_736] : memref<256x8192xf32, #tpu.memory_space<vmem>>, vector<256x512xf32>
    tpu.vector_store %arg5[%swap3A_735, %swap3A_736], %convert_element_type3A_734 {strides = array<i32>} : memref<256x8192xf32, #tpu.memory_space<vmem>>, vector<256x512xf32>,
    %get3A_738 = arith.constant 0 : index
    %get3A_739 = arith.constant 5120 : index
    %get3A_740 = vector.load %arg7[%get3A_738, %get3A_739] : memref<1x8192xf32, #tpu.memory_space<vmem>>, vector<1x512xf32>
    %reduce_sum3A_741 = arith.constant dense<0.000000e+00> : vector<512xf32>
    %reduce_sum3A_742 = vector.multi_reduction <add>, %convert_element_type3A_734, %reduce_sum3A_741 [0] : vector<256x512xf32> to vector<512xf32>
    %broadcast_in_dim3A_743 = vector.shape_cast %reduce_sum3A_742 : vector<512xf32> to vector<1x512xf32>
    %add3A_744 = arith.addf %get3A_740, %broadcast_in_dim3A_743 : vector<1x512xf32>
    %swap3A_745 = arith.constant 0 : index
    %swap3A_746 = arith.constant 5120 : index
    %swap3A_747 = vector.load %arg7[%swap3A_745, %swap3A_746] : memref<1x8192xf32, #tpu.memory_space<vmem>>, vector<1x512xf32>
    tpu.vector_store %arg7[%swap3A_745, %swap3A_746], %add3A_744 {strides = array<i32>} : memref<1x8192xf32, #tpu.memory_space<vmem>>, vector<1x512xf32>,
    %add3A_748 = arith.constant 5632 : i32
    %add3A_749 = vector.broadcast %add3A_748 : i32 to vector<256x512xi32>
    %add3A_750 = arith.addi %iota3A, %add3A_749 : vector<256x512xi32>
    %eq3A_751 = vector.broadcast %select_n3A_509 : vector<256x1xi32> to vector<256x512xi32>
    %eq3A_752 = arith.cmpi eq, %eq3A_751, %add3A_750 : vector<256x512xi32>
    %convert_element_type3A_753 = arith.extui %eq3A_752 : vector<256x512xi1> to vector<256x512xi32>
    %convert_element_type3A_754 = arith.sitofp %convert_element_type3A_753 : vector<256x512xi32> to vector<256x512xf32>
    %swap3A_755 = arith.constant 0 : index
    %swap3A_756 = arith.constant 5632 : index
    %swap3A_757 = vector.load %arg5[%swap3A_755, %swap3A_756] : memref<256x8192xf32, #tpu.memory_space<vmem>>, vector<256x512xf32>
    tpu.vector_store %arg5[%swap3A_755, %swap3A_756], %convert_element_type3A_754 {strides = array<i32>} : memref<256x8192xf32, #tpu.memory_space<vmem>>, vector<256x512xf32>,
    %get3A_758 = arith.constant 0 : index
    %get3A_759 = arith.constant 5632 : index
    %get3A_760 = vector.load %arg7[%get3A_758, %get3A_759] : memref<1x8192xf32, #tpu.memory_space<vmem>>, vector<1x512xf32>
    %reduce_sum3A_761 = arith.constant dense<0.000000e+00> : vector<512xf32>
    %reduce_sum3A_762 = vector.multi_reduction <add>, %convert_element_type3A_754, %reduce_sum3A_761 [0] : vector<256x512xf32> to vector<512xf32>
    %broadcast_in_dim3A_763 = vector.shape_cast %reduce_sum3A_762 : vector<512xf32> to vector<1x512xf32>
    %add3A_764 = arith.addf %get3A_760, %broadcast_in_dim3A_763 : vector<1x512xf32>
    %swap3A_765 = arith.constant 0 : index
    %swap3A_766 = arith.constant 5632 : index
    %swap3A_767 = vector.load %arg7[%swap3A_765, %swap3A_766] : memref<1x8192xf32, #tpu.memory_space<vmem>>, vector<1x512xf32>
    tpu.vector_store %arg7[%swap3A_765, %swap3A_766], %add3A_764 {strides = array<i32>} : memref<1x8192xf32, #tpu.memory_space<vmem>>, vector<1x512xf32>,
    %add3A_768 = arith.constant 6144 : i32
    %add3A_769 = vector.broadcast %add3A_768 : i32 to vector<256x512xi32>
    %add3A_770 = arith.addi %iota3A, %add3A_769 : vector<256x512xi32>
    %eq3A_771 = vector.broadcast %select_n3A_509 : vector<256x1xi32> to vector<256x512xi32>
    %eq3A_772 = arith.cmpi eq, %eq3A_771, %add3A_770 : vector<256x512xi32>
    %convert_element_type3A_773 = arith.extui %eq3A_772 : vector<256x512xi1> to vector<256x512xi32>
    %convert_element_type3A_774 = arith.sitofp %convert_element_type3A_773 : vector<256x512xi32> to vector<256x512xf32>
    %swap3A_775 = arith.constant 0 : index
    %swap3A_776 = arith.constant 6144 : index
    %swap3A_777 = vector.load %arg5[%swap3A_775, %swap3A_776] : memref<256x8192xf32, #tpu.memory_space<vmem>>, vector<256x512xf32>
    tpu.vector_store %arg5[%swap3A_775, %swap3A_776], %convert_element_type3A_774 {strides = array<i32>} : memref<256x8192xf32, #tpu.memory_space<vmem>>, vector<256x512xf32>,
    %get3A_778 = arith.constant 0 : index
    %get3A_779 = arith.constant 6144 : index
    %get3A_780 = vector.load %arg7[%get3A_778, %get3A_779] : memref<1x8192xf32, #tpu.memory_space<vmem>>, vector<1x512xf32>
    %reduce_sum3A_781 = arith.constant dense<0.000000e+00> : vector<512xf32>
    %reduce_sum3A_782 = vector.multi_reduction <add>, %convert_element_type3A_774, %reduce_sum3A_781 [0] : vector<256x512xf32> to vector<512xf32>
    %broadcast_in_dim3A_783 = vector.shape_cast %reduce_sum3A_782 : vector<512xf32> to vector<1x512xf32>
    %add3A_784 = arith.addf %get3A_780, %broadcast_in_dim3A_783 : vector<1x512xf32>
    %swap3A_785 = arith.constant 0 : index
    %swap3A_786 = arith.constant 6144 : index
    %swap3A_787 = vector.load %arg7[%swap3A_785, %swap3A_786] : memref<1x8192xf32, #tpu.memory_space<vmem>>, vector<1x512xf32>
    tpu.vector_store %arg7[%swap3A_785, %swap3A_786], %add3A_784 {strides = array<i32>} : memref<1x8192xf32, #tpu.memory_space<vmem>>, vector<1x512xf32>,
    %add3A_788 = arith.constant 6656 : i32
    %add3A_789 = vector.broadcast %add3A_788 : i32 to vector<256x512xi32>
    %add3A_790 = arith.addi %iota3A, %add3A_789 : vector<256x512xi32>
    %eq3A_791 = vector.broadcast %select_n3A_509 : vector<256x1xi32> to vector<256x512xi32>
    %eq3A_792 = arith.cmpi eq, %eq3A_791, %add3A_790 : vector<256x512xi32>
    %convert_element_type3A_793 = arith.extui %eq3A_792 : vector<256x512xi1> to vector<256x512xi32>
    %convert_element_type3A_794 = arith.sitofp %convert_element_type3A_793 : vector<256x512xi32> to vector<256x512xf32>
    %swap3A_795 = arith.constant 0 : index
    %swap3A_796 = arith.constant 6656 : index
    %swap3A_797 = vector.load %arg5[%swap3A_795, %swap3A_796] : memref<256x8192xf32, #tpu.memory_space<vmem>>, vector<256x512xf32>
    tpu.vector_store %arg5[%swap3A_795, %swap3A_796], %convert_element_type3A_794 {strides = array<i32>} : memref<256x8192xf32, #tpu.memory_space<vmem>>, vector<256x512xf32>,
    %get3A_798 = arith.constant 0 : index
    %get3A_799 = arith.constant 6656 : index
    %get3A_800 = vector.load %arg7[%get3A_798, %get3A_799] : memref<1x8192xf32, #tpu.memory_space<vmem>>, vector<1x512xf32>
    %reduce_sum3A_801 = arith.constant dense<0.000000e+00> : vector<512xf32>
    %reduce_sum3A_802 = vector.multi_reduction <add>, %convert_element_type3A_794, %reduce_sum3A_801 [0] : vector<256x512xf32> to vector<512xf32>
    %broadcast_in_dim3A_803 = vector.shape_cast %reduce_sum3A_802 : vector<512xf32> to vector<1x512xf32>
    %add3A_804 = arith.addf %get3A_800, %broadcast_in_dim3A_803 : vector<1x512xf32>
    %swap3A_805 = arith.constant 0 : index
    %swap3A_806 = arith.constant 6656 : index
    %swap3A_807 = vector.load %arg7[%swap3A_805, %swap3A_806] : memref<1x8192xf32, #tpu.memory_space<vmem>>, vector<1x512xf32>
    tpu.vector_store %arg7[%swap3A_805, %swap3A_806], %add3A_804 {strides = array<i32>} : memref<1x8192xf32, #tpu.memory_space<vmem>>, vector<1x512xf32>,
    %add3A_808 = arith.constant 7168 : i32
    %add3A_809 = vector.broadcast %add3A_808 : i32 to vector<256x512xi32>
    %add3A_810 = arith.addi %iota3A, %add3A_809 : vector<256x512xi32>
    %eq3A_811 = vector.broadcast %select_n3A_509 : vector<256x1xi32> to vector<256x512xi32>
    %eq3A_812 = arith.cmpi eq, %eq3A_811, %add3A_810 : vector<256x512xi32>
    %convert_element_type3A_813 = arith.extui %eq3A_812 : vector<256x512xi1> to vector<256x512xi32>
    %convert_element_type3A_814 = arith.sitofp %convert_element_type3A_813 : vector<256x512xi32> to vector<256x512xf32>
    %swap3A_815 = arith.constant 0 : index
    %swap3A_816 = arith.constant 7168 : index
    %swap3A_817 = vector.load %arg5[%swap3A_815, %swap3A_816] : memref<256x8192xf32, #tpu.memory_space<vmem>>, vector<256x512xf32>
    tpu.vector_store %arg5[%swap3A_815, %swap3A_816], %convert_element_type3A_814 {strides = array<i32>} : memref<256x8192xf32, #tpu.memory_space<vmem>>, vector<256x512xf32>,
    %get3A_818 = arith.constant 0 : index
    %get3A_819 = arith.constant 7168 : index
    %get3A_820 = vector.load %arg7[%get3A_818, %get3A_819] : memref<1x8192xf32, #tpu.memory_space<vmem>>, vector<1x512xf32>
    %reduce_sum3A_821 = arith.constant dense<0.000000e+00> : vector<512xf32>
    %reduce_sum3A_822 = vector.multi_reduction <add>, %convert_element_type3A_814, %reduce_sum3A_821 [0] : vector<256x512xf32> to vector<512xf32>
    %broadcast_in_dim3A_823 = vector.shape_cast %reduce_sum3A_822 : vector<512xf32> to vector<1x512xf32>
    %add3A_824 = arith.addf %get3A_820, %broadcast_in_dim3A_823 : vector<1x512xf32>
    %swap3A_825 = arith.constant 0 : index
    %swap3A_826 = arith.constant 7168 : index
    %swap3A_827 = vector.load %arg7[%swap3A_825, %swap3A_826] : memref<1x8192xf32, #tpu.memory_space<vmem>>, vector<1x512xf32>
    tpu.vector_store %arg7[%swap3A_825, %swap3A_826], %add3A_824 {strides = array<i32>} : memref<1x8192xf32, #tpu.memory_space<vmem>>, vector<1x512xf32>,
    %add3A_828 = arith.constant 7680 : i32
    %add3A_829 = vector.broadcast %add3A_828 : i32 to vector<256x512xi32>
    %add3A_830 = arith.addi %iota3A, %add3A_829 : vector<256x512xi32>
    %eq3A_831 = vector.broadcast %select_n3A_509 : vector<256x1xi32> to vector<256x512xi32>
    %eq3A_832 = arith.cmpi eq, %eq3A_831, %add3A_830 : vector<256x512xi32>
    %convert_element_type3A_833 = arith.extui %eq3A_832 : vector<256x512xi1> to vector<256x512xi32>
    %convert_element_type3A_834 = arith.sitofp %convert_element_type3A_833 : vector<256x512xi32> to vector<256x512xf32>
    %swap3A_835 = arith.constant 0 : index
    %swap3A_836 = arith.constant 7680 : index
    %swap3A_837 = vector.load %arg5[%swap3A_835, %swap3A_836] : memref<256x8192xf32, #tpu.memory_space<vmem>>, vector<256x512xf32>
    tpu.vector_store %arg5[%swap3A_835, %swap3A_836], %convert_element_type3A_834 {strides = array<i32>} : memref<256x8192xf32, #tpu.memory_space<vmem>>, vector<256x512xf32>,
    %get3A_838 = arith.constant 0 : index
    %get3A_839 = arith.constant 7680 : index
    %get3A_840 = vector.load %arg7[%get3A_838, %get3A_839] : memref<1x8192xf32, #tpu.memory_space<vmem>>, vector<1x512xf32>
    %reduce_sum3A_841 = arith.constant dense<0.000000e+00> : vector<512xf32>
    %reduce_sum3A_842 = vector.multi_reduction <add>, %convert_element_type3A_834, %reduce_sum3A_841 [0] : vector<256x512xf32> to vector<512xf32>
    %broadcast_in_dim3A_843 = vector.shape_cast %reduce_sum3A_842 : vector<512xf32> to vector<1x512xf32>
    %add3A_844 = arith.addf %get3A_840, %broadcast_in_dim3A_843 : vector<1x512xf32>
    %swap3A_845 = arith.constant 0 : index
    %swap3A_846 = arith.constant 7680 : index
    %swap3A_847 = vector.load %arg7[%swap3A_845, %swap3A_846] : memref<1x8192xf32, #tpu.memory_space<vmem>>, vector<1x512xf32>
    tpu.vector_store %arg7[%swap3A_845, %swap3A_846], %add3A_844 {strides = array<i32>} : memref<1x8192xf32, #tpu.memory_space<vmem>>, vector<1x512xf32>,
    return
  }
  func.func @transform_0(%arg0: i32) -> (i32, i32) {
    %c0_i32 = arith.constant 0 : i32
    %c0_i32_0 = arith.constant 0 : i32
    return %arg0, %c0_i32 : i32, i32
  }
  func.func @transform_1(%arg0: i32) -> (i32, i32) {
    %c0_i32 = arith.constant 0 : i32
    %c0_i32_0 = arith.constant 0 : i32
    return %arg0, %c0_i32 : i32, i32
  }
  func.func @transform_2(%arg0: i32) -> (i32, i32) {
    %c0_i32 = arith.constant 0 : i32
    %c0_i32_0 = arith.constant 0 : i32
    %c0_i32_1 = arith.constant 0 : i32
    return %c0_i32, %c0_i32_0 : i32, i32
  }
  func.func @transform_3(%arg0: i32) -> (i32, i32) {
    %c0_i32 = arith.constant 0 : i32
    %c0_i32_0 = arith.constant 0 : i32
    %c0_i32_1 = arith.constant 0 : i32
    return %c0_i32, %c0_i32_0 : i32, i32
  }
  func.func @transform_4(%arg0: i32) -> (i32, i32) {
    %c0_i32 = arith.constant 0 : i32
    %c0_i32_0 = arith.constant 0 : i32
    return %arg0, %c0_i32 : i32, i32
  }
  func.func @transform_5(%arg0: i32) -> (i32, i32) {
    %c0_i32 = arith.constant 0 : i32
    %c0_i32_0 = arith.constant 0 : i32
    return %arg0, %c0_i32 : i32, i32
  }
  func.func @transform_6(%arg0: i32) -> (i32, i32) {
    %c0_i32 = arith.constant 0 : i32
    %c0_i32_0 = arith.constant 0 : i32
    %c0_i32_1 = arith.constant 0 : i32
    return %c0_i32, %c0_i32_0 : i32, i32
  }
  func.func @transform_7(%arg0: i32) -> (i32, i32) {
    %c0_i32 = arith.constant 0 : i32
    %c0_i32_0 = arith.constant 0 : i32
    %c0_i32_1 = arith.constant 0 : i32
    return %c0_i32, %c0_i32_0 : i32, i32
  }
}

module attributes {stable_mosaic.version = 14 : i64} {
  func.func @_k3_body(%arg0: i32, %arg1: memref<1x1024x256xf32, #tpu.memory_space<vmem>>, %arg2: memref<1x1024x256xf32, #tpu.memory_space<vmem>>, %arg3: memref<1x256x1024xf32, #tpu.memory_space<vmem>>) attributes {dimension_semantics = [#tpu.dimension_semantics<arbitrary>], iteration_bounds = array<i64: 16>, scalar_prefetch = 0 : i64, scratch_operands = 0 : i64, tpu.core_type = #tpu.core_type<tc>, window_params = [{transform_indices = @transform_0, window_bounds = array<i64: 1, 1024, 256>}, {transform_indices = @transform_1, window_bounds = array<i64: 1, 1024, 256>}, {transform_indices = @transform_2, window_bounds = array<i64: 1, 256, 1024>}]} {
    %get3A = arith.constant 0 : index
    %get3A_0 = arith.constant 0 : index
    %get3A_1 = arith.constant 0 : index
    %get3A_2 = vector.load %arg1[%get3A, %get3A_0, %get3A_1] : memref<1x1024x256xf32, #tpu.memory_space<vmem>>, vector<1x1024x256xf32>
    %get3A_3 = vector.shape_cast %get3A_2 : vector<1x1024x256xf32> to vector<1024x256xf32>
    %get3A_4 = arith.constant 0 : index
    %get3A_5 = arith.constant 0 : index
    %get3A_6 = arith.constant 0 : index
    %get3A_7 = vector.load %arg2[%get3A_4, %get3A_5, %get3A_6] : memref<1x1024x256xf32, #tpu.memory_space<vmem>>, vector<1x1024x256xf32>
    %get3A_8 = vector.shape_cast %get3A_7 : vector<1x1024x256xf32> to vector<1024x256xf32>
    %sub3A = arith.subf %get3A_8, %get3A_3 : vector<1024x256xf32>
    %add3A = arith.addf %get3A_3, %sub3A : vector<1024x256xf32>
    %transpose3A = tpu.transpose %add3A, [1, 0] : vector<1024x256xf32> -> vector<256x1024xf32>
    %swap3A = arith.constant 0 : index
    %swap3A_9 = arith.constant 0 : index
    %swap3A_10 = arith.constant 0 : index
    %swap3A_11 = vector.load %arg3[%swap3A, %swap3A_9, %swap3A_10] : memref<1x256x1024xf32, #tpu.memory_space<vmem>>, vector<1x256x1024xf32>
    %swap3A_12 = vector.shape_cast %swap3A_11 : vector<1x256x1024xf32> to vector<256x1024xf32>
    %swap3A_13 = vector.shape_cast %transpose3A : vector<256x1024xf32> to vector<1x256x1024xf32>
    tpu.vector_store %arg3[%swap3A, %swap3A_9, %swap3A_10], %swap3A_13 {strides = array<i32>} : memref<1x256x1024xf32, #tpu.memory_space<vmem>>, vector<1x256x1024xf32>,
    return
  }
  func.func @transform_0(%arg0: i32) -> (i32, i32, i32) {
    %c0_i32 = arith.constant 0 : i32
    %c0_i32_0 = arith.constant 0 : i32
    %c0_i32_1 = arith.constant 0 : i32
    return %arg0, %c0_i32, %c0_i32_0 : i32, i32, i32
  }
  func.func @transform_1(%arg0: i32) -> (i32, i32, i32) {
    %c0_i32 = arith.constant 0 : i32
    %c0_i32_0 = arith.constant 0 : i32
    %c0_i32_1 = arith.constant 0 : i32
    return %arg0, %c0_i32, %c0_i32_0 : i32, i32, i32
  }
  func.func @transform_2(%arg0: i32) -> (i32, i32, i32) {
    %c0_i32 = arith.constant 0 : i32
    %c0_i32_0 = arith.constant 0 : i32
    %c0_i32_1 = arith.constant 0 : i32
    return %arg0, %c0_i32, %c0_i32_0 : i32, i32, i32
  }
}

</mosaic_0001>

<sc_bundles>
// kernel: kernel.5.cloned.1.call-start
scs
__scs_entry_jumppad:
0x0: {  	(pc) =	sbr.rel $0x88, $3  }
0x1: {  	(tag) =	ssettag $0x0;
	lr =	simm.s32 $0x1  }
0x2: {  	[smem:$0x3F9F] =	sst lr;
	_ =	strace $0xD0000000  }
0x3: {  	_ = 	snop  }
0x4: {  	_ = 	snop  }
0x5: {  	_ = 	snop  }
0x6: {  	_ = 	snop  }
0x7: {  	_ = 	snop  }
__scs_overlays_trampoline_lowered:
0x8: {  	[smem:$0x3FAE] =	sst s0  }
0x9: {  	[smem:$0x3FAF] =	sst s1  }
0xa: {  	[smem:$0x3FB0] =	sst s2  }
0xb: {  	[smem:$0x3FB1] =	sst s3  }
0xc: {  	[smem:$0x3FB2] =	sst s4  }
0xd: {  	[smem:$0x3FB3] =	sst s5  }
0xe: {  	[smem:$0x3FB4] =	sst s6  }
0xf: {  	[smem:$0x3FB5] =	sst s7  }
0x10: {  	[smem:$0x3FB6] =	sst s8  }
0x11: {  	[smem:$0x3FB7] =	sst s9;
	s0 =	simm.s32 @!p0 $0x0  }
0x12: {  	s1 =	sld [smem:$0x3F9D];
	s0 =	simm.s32 @p0 $0x1  }
0x13: {  	[smem:$0x3FB8] =	sst s0;
	s0 =	simm.s32 @!p1 $0x0  }
0x14: {  	s2 =	sld [smem:$0x3F9C];
	s0 =	simm.s32 @p1 $0x1  }
0x15: {  	[smem:$0x3FB9] =	sst s0;
	s0 =	simm.s32 @!p2 $0x0  }
0x16: {  	s3 =	sld [smem:$0x3FDB];
	s0 =	simm.s32 @p2 $0x1  }
0x17: {  	s4 =	simm.s32 $0x1BF5;
	[smem:$0x3FBB] =	sst s0  }
0x18: {  	s0 =	sld [smem:$0x3F9E];
	_ =	swait.ge [sflag:s4], $0x0  }
0x19: {  	s7 =	sld [smem:$0x3F9F]  }
0x1a: {  	s8 =	sadd.s32 $0xFFFFE003, lr  }
0x1b: {  	s9 =	sadd.s32 $0xFFFFFEF7, lr;
	s5 =	simm.s32 $0xFFFFFFFF;
	p2 =	slt.u32 s8, $0xFFFFF086  }
0x1c: {  	p1 =	slt.u32 s9, $0xF7A;
	s5 =	simm.s32 @!p2 $0x0  }
0x1d: {  	s5 =	simm.s32 @p1 $0x1;
	p0 =	seq.s32 s7, s2  }
0x1e: {  	s7 =	smul.u32 @!p0 $0xF7A, s2;
	p2 =	seq.s32 @!p0 s5, $0x0  }
0x1f: {  	s9 =	smul.u32 $0xF7A, s1;
	s8 =	simm.s32 @!p0 $0x1BF5;
	p2 =	por !p2, p0  }
0x20: {  	[sflag:s8] =	ssyncset.s32 @!p0 $0xFFFFF086;
	s6 =	sadd.s32 @!p0 s3, s7;
	s7 =	simm.s32 @!p0 $0x108  }
0x21: {  	s3 =	sadd.s32 s3, s9;
	s6 =	sadd.s32 @!p0 $0x88, s6;
	s7 =	simm.s32 @p2 $0x1082  }
0x22: {  	[simem:s7], [sflag:s8] =	dma.local @!p0 [hbm:s6], $0xF7A  }
0x23: {  	s9 =	sor.u32 $0xD0000000, s2;
	s6 =	simm.s32 $0x108;
	_ =	swait.ge @!p0 [sflag:s8], $0x0  }
0x24: {  	s3 =	sadd.s32 $0x88, s3;
	s6 =	simm.s32 @!p1 $0x1082;
	[sflag:s4] =	ssyncset.s32 $0xFFFFF086  }
0x25: {  	[simem:s6], [sflag:s4] =	dma.local [hbm:s3], $0xF7A  }
0x26: {  	[smem:$0x3F9F] =	sst s1;
	(tag) =	ssettag s2;
	_ =	strace s9  }
0x27: {  	s1 =	sld [smem:$0x3FAF]  }
0x28: {  	s2 =	sld [smem:$0x3FB0]  }
0x29: {  	s4 =	sld [smem:$0x3FB2]  }
0x2a: {  	p0 =	seq.s32 s5, $0x0;
	s5 =	sld [smem:$0x3FB3]  }
0x2b: {  	s6 =	sld [smem:$0x3FB4]  }
0x2c: {  	s7 =	sld [smem:$0x3FB5]  }
0x2d: {  	s3 =	simm.s32 $0x108;
	s8 =	sld [smem:$0x3FB6]  }
0x2e: {  	s3 =	simm.s32 @!p0 $0x1082;
	s9 =	sld [smem:$0x3FB7]  }
0x2f: {  	lr =	sadd.s32 s0, s3;
	s0 =	sld [smem:$0x3FAE]  }
0x30: {  	s3 =	sld [smem:$0x3FB1]  }
0x31: {  	[smem:$0x3FBA] =	sst s10  }
0x32: {  	s10 =	sld [smem:$0x3FB8];
	_ =	sdelay $0x3  }
0x33: {  	p0 =	seq.s32 s10, $0x1;
	s10 =	sld [smem:$0x3FBA];
	_ =	sdelay $0x3  }
0x34: {  	[smem:$0x3FBA] =	sst s10  }
0x35: {  	s10 =	sld [smem:$0x3FB9];
	_ =	sdelay $0x3  }
0x36: {  	p1 =	seq.s32 s10, $0x1;
	s10 =	sld [smem:$0x3FBA];
	_ =	sdelay $0x3  }
0x37: {  	[smem:$0x3FBA] =	sst s10  }
0x38: {  	s10 =	sld [smem:$0x3FBB]  }
0x39: {  	_ = 	snop;
	(pc) =	sbr.ind lr, $3  }
0x3a: {  	_ = 	snop  }
0x3b: {  	_ = 	snop  }
0x3c: {  	p2 =	seq.s32 s10, $0x1;
	s10 =	sld [smem:$0x3FBA]  }
0x3d: {  	_ =	shalt  }
0x3e: {  	_ =	shalt  }
0x3f: {  	_ =	shalt  }
0x40: {  	_ =	shalt  }
0x41: {  	_ =	shalt  }
0x42: {  	_ =	shalt  }
0x43: {  	_ =	shalt  }
0x44: {  	_ =	shalt  }
0x45: {  	_ =	shalt  }
0x46: {  	_ =	shalt  }
0x47: {  	_ =	shalt  }
0x48: {  	_ =	shalt  }
0x49: {  	_ =	shalt  }
0x4a: {  	_ =	shalt  }
0x4b: {  	_ =	shalt  }
0x4c: {  	_ =	shalt  }
0x4d: {  	_ =	shalt  }
0x4e: {  	_ =	shalt  }
0x4f: {  	_ =	shalt  }
0x50: {  	_ =	shalt  }
0x51: {  	_ =	shalt  }
0x52: {  	_ =	shalt  }
0x53: {  	_ =	shalt  }
0x54: {  	_ =	shalt  }
0x55: {  	_ =	shalt  }
0x56: {  	_ =	shalt  }
0x57: {  	_ =	shalt  }
0x58: {  	_ =	shalt  }
0x59: {  	_ =	shalt  }
0x5a: {  	_ =	shalt  }
0x5b: {  	_ =	shalt  }
0x5c: {  	_ =	shalt  }
0x5d: {  	_ =	shalt  }
0x5e: {  	_ =	shalt  }
0x5f: {  	_ =	shalt  }
0x60: {  	_ =	shalt  }
0x61: {  	_ =	shalt  }
0x62: {  	_ =	shalt  }
0x63: {  	_ =	shalt  }
0x64: {  	_ =	shalt  }
0x65: {  	_ =	shalt  }
0x66: {  	_ =	shalt  }
0x67: {  	_ =	shalt  }
0x68: {  	_ =	shalt  }
0x69: {  	_ =	shalt  }
0x6a: {  	_ =	shalt  }
0x6b: {  	_ =	shalt  }
0x6c: {  	_ =	shalt  }
0x6d: {  	_ =	shalt  }
0x6e: {  	_ =	shalt  }
0x6f: {  	_ =	shalt  }
0x70: {  	_ =	shalt  }
0x71: {  	_ =	shalt  }
0x72: {  	_ =	shalt  }
0x73: {  	_ =	shalt  }
0x74: {  	_ =	shalt  }
0x75: {  	_ =	shalt  }
0x76: {  	_ =	shalt  }
0x77: {  	_ =	shalt  }
0x78: {  	_ =	shalt  }
0x79: {  	_ =	shalt  }
0x7a: {  	_ =	shalt  }
0x7b: {  	_ =	shalt  }
0x7c: {  	_ =	shalt  }
0x7d: {  	_ =	shalt  }
0x7e: {  	_ =	shalt  }
0x7f: {  	_ =	shalt  }
0x80: {  	_ =	shalt  }
0x81: {  	_ =	shalt  }
0x82: {  	_ =	shalt  }
0x83: {  	_ =	shalt  }
0x84: {  	_ =	shalt  }
0x85: {  	_ =	shalt  }
0x86: {  	_ =	shalt  }
0x87: {  	_ =	shalt  }
.Lfunc_end0:
.L_simem_size_0:
called_computation_lowered:
.L_overlay_start_0:
0x88: {  	s2 =	sld [smem:$0x3FD9]  }
0x89: {  	s3 =	sld [smem:$0x3FFE];
	_ =	sdelay $0x1  }
0x8a: {  	s1 =	srdreg.scid  }
0x8b: {  	s0 =	sand.u32 $0x1, s1  }
0x8c: {  	s14 =	sshll.u32 s0, $0xA;
	s2 =	sadd.s32 s3, s2  }
0x8d: {  	s2 =	sadd.s32 s2, s14  }
0x8e: {  	[smem:$0x3FC6] =	sst s2  }
0x8f: {  	_ = 	snop  }
0x90: {  	s2 =	sld [smem:$0x3FD0];
	_ =	sdelay $0x2  }
0x91: {  	s4 =	simm.s32 $0xA;
	s5 =	simm.s32 $0x10;
	s15 =	sld [smem:$0x3FC8]  }
0x92: {  	[smem:s5], [sflag:s4] =	dma.local [hbm:s2], $0x1  }
0x93: {  	_ =	swait.eq [sflag:s4], $0x1  }
0x94: {  	[sflag:s4] =	ssyncset.done $0x0  }
0x95: {  	[sflag:s4] =	ssyncadd.s32 $0xFFFFFFFF  }
0x96: {  	s16 =	sld [smem:$0x13];
	(tm) =	ssettm $0x1  }
0x97: {  	s17 =	sld [smem:$0x3FFB];
	_ =	sdelay $0x3  }
0x98: {  	_ =	strace s17  }
0x99: {  	s4 =	sld [smem:$0x3FFC];
	_ =	sdelay $0x3  }
0x9a: {  	_ =	strace s4  }
0x9b: {  	s4 =	sld [smem:$0x3FFD];
	_ =	sdelay $0x3  }
0x9c: {  	_ =	strace s4  }
0x9d: {  	_ =	strace $0x8FFFFFFF  }
0x9e: {  	s18 =	sld [smem:$0x3FDB];
	_ =	sdelay $0x1  }
0x9f: {  	s19 =	simm.s32 $_scs_section_size  }
0xa0: {  	s6 =	simm.s32 $_size__tile_overlayer_lowered;
	s7 =	simm.s32 $_tile_overlayer_lowered  }
0xa1: {  	s22 =	simm.s32 $0x1BFF;
	s21 =	sshll.u32 s7, $0x1;
	s4 =	sadd.s32 s19, s18  }
0xa2: {  	s8 =	simm.s32 $0x0;
	s20 =	sshll.u32 s6, $0x1;
	s6 =	sadd.s32 s21, s4  }
0xa3: {  	[timem:s8], [sflag:s22] =	dma.local [hbm:s6], s20  }
0xa4: {  	_ =	swait.ge [sflag:s22], s20  }
0xa5: {  	s5 =	ssub.s32 $0x0, s20;
	[sflag:s22] =	ssyncset.done $0x0  }
0xa6: {  	[sflag:s22] =	ssyncadd.s32 s5;
	_ =	sdelay $0x1  }
0xa7: {  	s23 =	simm.s32 $0x1B8B  }
0xa8: {  	_ =	swait.ge [sflag:s23], $0x1  }
0xa9: {  	[sflag:s23] =	ssyncset.done $0x0  }
0xaa: {  	s25 =	simm.s32 $0x1B8E;
	s24 =	sld [smem:$0x3FFE];
	[sflag:s23] =	ssyncadd.s32 $0xFFFFFFFF  }
0xab: {  	s26 =	simm.s32 $execute0_lowered;
	[smem:$0x3FD2] =	sst s25  }
0xac: {  	s6 =	sshll.u32 s26, $0x1;
	_ =	strace $0x80000046;
	[dreg:$0x1] =	wrdreg $0xFFFFFFFF  }
0xad: {  	s28 =	simm.s32 $_size_execute0_lowered;
	s4 =	sadd.s32 s4, s6;
	[dreg:$0x0] =	wrdreg $0x0  }
0xae: {  	s6 =	sshll.u32 s28, $0x1;
	[dreg:$0x2] =	wrdreg s4  }
0xaf: {  	[dreg:$0x3] =	wrdreg s6  }
0xb0: {  	[dreg:$0x4] =	wrdreg $0xC0  }
0xb1: {  	_ =	task [dreg:s8], $0x5FFFF  }
0xb2: {  	[dreg:$0x1] =	wrdreg $0xFFFFFFFF  }
0xb3: {  	[dreg:$0x0] =	wrdreg $0x60  }
0xb4: {  	[dreg:$0x2] =	wrdreg s15  }
0xb5: {  	[dreg:$0x3] =	wrdreg s16  }
0xb6: {  	[dreg:$0x4] =	wrdreg s24  }
0xb7: {  	[dreg:$0x5] =	wrdreg $0x9  }
0xb8: {  	_ =	task.clear_ibuf [dreg:s8], $0x6FFFF;
	_ =	strace $0x90000046  }
0xb9: {  	s29 =	simm.s32 $0x9;
	_ =	strace $0x80000048  }
0xba: {  	_ =	swait.ge [sflag:s29], $0x1  }
0xbb: {  	[sflag:s29] =	ssyncadd.s32 $0xFFFFFFFF  }
0xbc: {  	_ =	strace $0x90000048  }
0xbd: {  	_ =	sfence  }
0xbe: {  	s30 =	sld [smem:$0x0];
	_ =	sdelay $0x2  }
0xbf: {  	s31 =	sshll.u32 s1, $0xD;
	s1 =	sshrl.u32 s1, $0x2  }
0xc0: {  	s3 =	sand.u32 $0x4000, s31;
	s1 =	sadd.s32 s1, s30  }
0xc1: {  	s0 =	sor.u32 s3, s0;
	s1 =	sshll.u32 s1, $0x11  }
0xc2: {  	s0 =	sor.u32 s1, s0  }
0xc3: {  	s0 =	sadd.s32 $0x8F2B, s0  }
0xc4: {  	[sflag:s0] =	ssyncadd.remote.s32 $0x1  }
0xc5: {  	_ =	sfence.sel $0xFFFF  }
0xc6: {  	[dreg:$0x0] =	wrdreg $0xFFFFFFFF;
	(pc) =	sbr.abs _section_cstart, $3  }
0xc7: {  	[dreg:$0x1] =	wrdreg $0xFFFFFFFF  }
0xc8: {  	_ =	task.clear_ibuf [dreg:s8], $0x2FFFF;
	_ =	strace $0x9FFFFFFF  }
0xc9: {  	(tm) =	ssettm $0x7FFFFFFF  }
tec
execute0_lowered:
.L_overlay_start_1:
0x0: {  	(tag) =	ssettag $0x1  }
0x1: {  	s1 =	rddreg [dreg:$0x0]  }
0x2: {  	s10 =	rddreg [dreg:$0x1]  }
0x3: {  	s4 =	rddreg [dreg:$0x2]  }
0x4: {  	s0 =	rddreg [dreg:$0x3]  }
0x5: {  	s3 =	simm.s32 $0x0;
	s5 =	srdreg.scid;
	s2 =	stileid.u32  }
0x6: {  	s15 =	simm.s32 $0x880;
	s16 =	simm.s32 $0x1080;
	s17 =	simm.s32 $0x1880  }
0x7: {  	s18 =	simm.s32 $0x2080;
	s19 =	simm.s32 $0x2880;
	s20 =	simm.s32 $0x3080  }
0x8: {  	s28 =	simm.s32 $0x6880;
	s29 =	simm.s32 $0x7080;
	s30 =	simm.s32 $0x7880  }
0x9: {  	s31 =	simm.s32 $0x1;
	[smem:$0x7FF] =	sst s3;
	s5 =	sand.u32 $0x1, s5  }
0xa: {  	s7 =	sshll.u32 s2, $0xA;
	s6 =	ssub.s32 $0x2, s5;
	s5 =	sshll.u32 s5, $0x9  }
0xb: {  	s11 =	sadd.s32 $0xC00, s4;
	s21 =	sshrl.u32 s6, $0x1;
	s9 =	sor.u32 s5, s7  }
0xc: {  	_ =	strace $0x80000047;
	s12 =	ssub.s32 s6, s21;
	s22 =	sshrl.u32 s9, $0x3  }
0xd: {  	s5 =	sshll.u32 s9, $0x5;
	s23 =	sor.u32 $0x80, s9;
	s13 =	sor.u32 $0x100, s9  }
0xe: {  	s14 =	sor.u32 $0x180, s9;
	s21 =	simm.s32 $0x3880;
	s4 =	sadd.s32 s10, s22  }
0xf: {  	s5 =	sadd.s32 s11, s5;
	s24 =	sshrl.u32 s23, $0x3;
	s8 =	sshll.u32 s23, $0x5  }
0x10: {  	s25 =	sshrl.u32 s13, $0x3;
	s13 =	sshll.u32 s13, $0x5;
	s26 =	sshrl.u32 s14, $0x3  }
0x11: {  	s14 =	sshll.u32 s14, $0x5;
	s12 =	smax.u32 s12, $0x1;
	s22 =	simm.s32 $0x4080  }
0x12: {  	s23 =	simm.s32 $0x4880;
	s6 =	sadd.s32 s10, s24;
	s7 =	sadd.s32 s11, s8  }
0x13: {  	v2 =	vlaneseq.u32;
	s8 =	sadd.s32 s10, s25;
	s9 =	sadd.s32 s11, s13;
	s10 =	sadd.s32 s10, s26  }
0x14: {  	vm0 =	vmmov $0xffff;
	v1 =	vshrl.u32 v2, $0x3;
	s11 =	sadd.s32 s11, s14;
	s13 =	simm.s32 $0x2;
	s14 =	simm.s32 $0x80  }
0x15: {  	v0 =	vand.u32 $0x7, v2;
	v2 =	vor.u32 $0x8, v2;
	v1 =	vmul.u32 $0x8, v1;
	s24 =	simm.s32 $0x5080;
	s25 =	simm.s32 $0x5880;
	s26 =	simm.s32 $0x6080  }
.LBB2_1:
0x16: {  	[tilespmem:s3], [sflag:$0x2] =	stream.linear.gather [hbm4b:s4+s3], $0x80, $0x38;
	[tilespmem:$0x8080] =	vst v63  }
0x17: {  	_ =	swait.ge [sflag:s13], $0x80  }
0x18: {  	[sflag:s13] =	ssyncset.done $0x0  }
0x19: {  	[sflag:s13] =	ssyncadd.s32 $0xFFFFFF80  }
0x1a: {  	v3 =	vld [tilespmem:$0x0];
	_ =	sdelay $0x4  }
0x1b: {  	v4 =	vshll.u32 v3, $0x1  }
0x1c: {  	v3 =	vand.u32 $0x7, v3;
	v4 =	vand.u32 $0xFFFFFFF0, v4  }
0x1d: {  	v3 =	vor.u32 v3, v4  }
0x1e: {  	v4 =	vperm.xlane v3, v0;
	_ =	sdelay $0x1  }
0x1f: {  	v3 =	vperm.xlane v3, v2;
	v4 =	vadd.s32 v1, v4;
	_ =	sdelay $0x1  }
0x20: {  	v3 =	vadd.s32 v1, v3;
	_ =	sdelay $0x2  }
0x21: {  	[tilespmem:s14], [sflag:$0x1] =	stream.indirect_vreg.gather [hbm4b:s1+s3], $0x80, v4, vm0, $0xb8;
	[tilespmem:$0x8080] =	vst v63  }
0x22: {  	_ = 	snop  }
0x23: {  	[tilespmem:s15], [sflag:$0x1] =	stream.indirect_vreg.gather [hbm4b:s1+s3], $0x80, v3, vm0, $0xb8;
	[tilespmem:$0x8080] =	vst v63  }
0x24: {  	v3 =	vld [tilespmem:$0x10];
	_ =	sdelay $0x4  }
0x25: {  	v33 =	vshll.u32 v3, $0x1  }
0x26: {  	v3 =	vand.u32 $0x7, v3;
	v4 =	vand.u32 $0xFFFFFFF0, v33  }
0x27: {  	v3 =	vor.u32 v3, v4  }
0x28: {  	v4 =	vperm.xlane v3, v0;
	_ =	sdelay $0x1  }
0x29: {  	v3 =	vperm.xlane v3, v2;
	v4 =	vadd.s32 v1, v4;
	_ =	sdelay $0x1  }
0x2a: {  	v3 =	vadd.s32 v1, v3;
	_ =	sdelay $0x2  }
0x2b: {  	[tilespmem:s16], [sflag:$0x1] =	stream.indirect_vreg.gather [hbm4b:s1+s3], $0x80, v4, vm0, $0xb8;
	[tilespmem:$0x8080] =	vst v63  }
0x2c: {  	_ = 	snop  }
0x2d: {  	[tilespmem:s17], [sflag:$0x1] =	stream.indirect_vreg.gather [hbm4b:s1+s3], $0x80, v3, vm0, $0xb8;
	[tilespmem:$0x8080] =	vst v63  }
0x2e: {  	v3 =	vld [tilespmem:$0x20];
	_ =	sdelay $0x4  }
0x2f: {  	v34 =	vshll.u32 v3, $0x1  }
0x30: {  	v3 =	vand.u32 $0x7, v3;
	v4 =	vand.u32 $0xFFFFFFF0, v34  }
0x31: {  	v3 =	vor.u32 v3, v4  }
0x32: {  	v4 =	vperm.xlane v3, v0;
	_ =	sdelay $0x1  }
0x33: {  	v3 =	vperm.xlane v3, v2;
	v4 =	vadd.s32 v1, v4;
	_ =	sdelay $0x1  }
0x34: {  	v3 =	vadd.s32 v1, v3;
	_ =	sdelay $0x2  }
0x35: {  	[tilespmem:s18], [sflag:$0x1] =	stream.indirect_vreg.gather [hbm4b:s1+s3], $0x80, v4, vm0, $0xb8;
	[tilespmem:$0x8080] =	vst v63  }
0x36: {  	_ = 	snop  }
0x37: {  	[tilespmem:s19], [sflag:$0x1] =	stream.indirect_vreg.gather [hbm4b:s1+s3], $0x80, v3, vm0, $0xb8;
	[tilespmem:$0x8080] =	vst v63  }
0x38: {  	v3 =	vld [tilespmem:$0x30];
	_ =	sdelay $0x4  }
0x39: {  	v35 =	vshll.u32 v3, $0x1  }
0x3a: {  	v3 =	vand.u32 $0x7, v3;
	v4 =	vand.u32 $0xFFFFFFF0, v35  }
0x3b: {  	v3 =	vor.u32 v3, v4  }
0x3c: {  	v4 =	vperm.xlane v3, v0;
	_ =	sdelay $0x1  }
0x3d: {  	v3 =	vperm.xlane v3, v2;
	v4 =	vadd.s32 v1, v4;
	_ =	sdelay $0x1  }
0x3e: {  	v3 =	vadd.s32 v1, v3;
	_ =	sdelay $0x2  }
0x3f: {  	[tilespmem:s20], [sflag:$0x1] =	stream.indirect_vreg.gather [hbm4b:s1+s3], $0x80, v4, vm0, $0xb8;
	[tilespmem:$0x8080] =	vst v63  }
0x40: {  	_ = 	snop  }
0x41: {  	[tilespmem:s21], [sflag:$0x1] =	stream.indirect_vreg.gather [hbm4b:s1+s3], $0x80, v3, vm0, $0xb8;
	[tilespmem:$0x8080] =	vst v63  }
0x42: {  	v3 =	vld [tilespmem:$0x40];
	_ =	sdelay $0x4  }
0x43: {  	v36 =	vshll.u32 v3, $0x1  }
0x44: {  	v3 =	vand.u32 $0x7, v3;
	v4 =	vand.u32 $0xFFFFFFF0, v36  }
0x45: {  	v3 =	vor.u32 v3, v4  }
0x46: {  	v4 =	vperm.xlane v3, v0;
	_ =	sdelay $0x1  }
0x47: {  	v3 =	vperm.xlane v3, v2;
	v4 =	vadd.s32 v1, v4;
	_ =	sdelay $0x1  }
0x48: {  	v3 =	vadd.s32 v1, v3;
	_ =	sdelay $0x2  }
0x49: {  	[tilespmem:s22], [sflag:$0x1] =	stream.indirect_vreg.gather [hbm4b:s1+s3], $0x80, v4, vm0, $0xb8;
	[tilespmem:$0x8080] =	vst v63  }
0x4a: {  	_ = 	snop  }
0x4b: {  	[tilespmem:s23], [sflag:$0x1] =	stream.indirect_vreg.gather [hbm4b:s1+s3], $0x80, v3, vm0, $0xb8;
	[tilespmem:$0x8080] =	vst v63  }
0x4c: {  	v3 =	vld [tilespmem:$0x50];
	_ =	sdelay $0x4  }
0x4d: {  	v37 =	vshll.u32 v3, $0x1  }
0x4e: {  	v3 =	vand.u32 $0x7, v3;
	v4 =	vand.u32 $0xFFFFFFF0, v37  }
0x4f: {  	v3 =	vor.u32 v3, v4  }
0x50: {  	v4 =	vperm.xlane v3, v0;
	_ =	sdelay $0x1  }
0x51: {  	v3 =	vperm.xlane v3, v2;
	v4 =	vadd.s32 v1, v4;
	_ =	sdelay $0x1  }
0x52: {  	v3 =	vadd.s32 v1, v3;
	_ =	sdelay $0x2  }
0x53: {  	[tilespmem:s24], [sflag:$0x1] =	stream.indirect_vreg.gather [hbm4b:s1+s3], $0x80, v4, vm0, $0xb8;
	[tilespmem:$0x8080] =	vst v63  }
0x54: {  	_ = 	snop  }
0x55: {  	[tilespmem:s25], [sflag:$0x1] =	stream.indirect_vreg.gather [hbm4b:s1+s3], $0x80, v3, vm0, $0xb8;
	[tilespmem:$0x8080] =	vst v63  }
0x56: {  	v3 =	vld [tilespmem:$0x60];
	_ =	sdelay $0x4  }
0x57: {  	v38 =	vshll.u32 v3, $0x1  }
0x58: {  	v3 =	vand.u32 $0x7, v3;
	v4 =	vand.u32 $0xFFFFFFF0, v38  }
0x59: {  	v3 =	vor.u32 v3, v4  }
0x5a: {  	v4 =	vperm.xlane v3, v0;
	_ =	sdelay $0x1  }
0x5b: {  	v3 =	vperm.xlane v3, v2;
	v4 =	vadd.s32 v1, v4;
	_ =	sdelay $0x1  }
0x5c: {  	v3 =	vadd.s32 v1, v3;
	_ =	sdelay $0x2  }
0x5d: {  	[tilespmem:s26], [sflag:$0x1] =	stream.indirect_vreg.gather [hbm4b:s1+s3], $0x80, v4, vm0, $0xb8;
	[tilespmem:$0x8080] =	vst v63  }
0x5e: {  	_ = 	snop  }
0x5f: {  	[tilespmem:s28], [sflag:$0x1] =	stream.indirect_vreg.gather [hbm4b:s1+s3], $0x80, v3, vm0, $0xb8;
	[tilespmem:$0x8080] =	vst v63  }
0x60: {  	v3 =	vld [tilespmem:$0x70];
	_ =	sdelay $0x4  }
0x61: {  	v39 =	vshll.u32 v3, $0x1  }
0x62: {  	v3 =	vand.u32 $0x7, v3;
	v4 =	vand.u32 $0xFFFFFFF0, v39  }
0x63: {  	v3 =	vor.u32 v3, v4  }
0x64: {  	v4 =	vperm.xlane v3, v0;
	_ =	sdelay $0x1  }
0x65: {  	v3 =	vperm.xlane v3, v2;
	v4 =	vadd.s32 v1, v4;
	_ =	sdelay $0x1  }
0x66: {  	v3 =	vadd.s32 v1, v3;
	_ =	sdelay $0x2  }
0x67: {  	[tilespmem:s29], [sflag:$0x1] =	stream.indirect_vreg.gather [hbm4b:s1+s3], $0x80, v4, vm0, $0xb8;
	[tilespmem:$0x8080] =	vst v63  }
0x68: {  	_ = 	snop  }
0x69: {  	[tilespmem:s30], [sflag:$0x1] =	stream.indirect_vreg.gather [hbm4b:s1+s3], $0x80, v3, vm0, $0xb8;
	[tilespmem:$0x8080] =	vst v63  }
0x6a: {  	_ =	swait.ge [sflag:s31], $0x8000  }
0x6b: {  	[sflag:s31] =	ssyncset.done $0x0  }
0x6c: {  	[sflag:s31] =	ssyncadd.s32 $0xFFFF8000  }
0x6d: {  	[hbm4b:s5+s3] =	stream.linear.scatter [tilespmem:s14], [sflag:$0x2], $0x8000, $0x38;
	[tilespmem:$0x8080] =	vst v63  }
0x6e: {  	_ =	swait.ge [sflag:s13], $0x8000  }
0x6f: {  	[sflag:s13] =	ssyncset.done $0x0  }
0x70: {  	[sflag:s13] =	ssyncadd.s32 $0xFFFF8000  }
0x71: {  	[tilespmem:s3], [sflag:$0x2] =	stream.linear.gather [hbm4b:s6+s3], $0x80, $0x38;
	[tilespmem:$0x8080] =	vst v63  }
0x72: {  	_ =	swait.ge [sflag:s13], $0x80  }
0x73: {  	[sflag:s13] =	ssyncset.done $0x0  }
0x74: {  	[sflag:s13] =	ssyncadd.s32 $0xFFFFFF80  }
0x75: {  	v3 =	vld [tilespmem:$0x0];
	_ =	sdelay $0x4  }
0x76: {  	v40 =	vshll.u32 v3, $0x1  }
0x77: {  	v3 =	vand.u32 $0x7, v3;
	v4 =	vand.u32 $0xFFFFFFF0, v40  }
0x78: {  	v3 =	vor.u32 v3, v4  }
0x79: {  	v4 =	vperm.xlane v3, v0;
	_ =	sdelay $0x1  }
0x7a: {  	v3 =	vperm.xlane v3, v2;
	v4 =	vadd.s32 v1, v4;
	_ =	sdelay $0x1  }
0x7b: {  	v3 =	vadd.s32 v1, v3;
	_ =	sdelay $0x2  }
0x7c: {  	[tilespmem:s14], [sflag:$0x1] =	stream.indirect_vreg.gather [hbm4b:s1+s3], $0x80, v4, vm0, $0xb8;
	[tilespmem:$0x8080] =	vst v63  }
0x7d: {  	_ = 	snop  }
0x7e: {  	[tilespmem:s15], [sflag:$0x1] =	stream.indirect_vreg.gather [hbm4b:s1+s3], $0x80, v3, vm0, $0xb8;
	[tilespmem:$0x8080] =	vst v63  }
0x7f: {  	v3 =	vld [tilespmem:$0x10];
	_ =	sdelay $0x4  }
0x80: {  	v41 =	vshll.u32 v3, $0x1  }
0x81: {  	v3 =	vand.u32 $0x7, v3;
	v4 =	vand.u32 $0xFFFFFFF0, v41  }
0x82: {  	v3 =	vor.u32 v3, v4  }
0x83: {  	v4 =	vperm.xlane v3, v0;
	_ =	sdelay $0x1  }
0x84: {  	v3 =	vperm.xlane v3, v2;
	v4 =	vadd.s32 v1, v4;
	_ =	sdelay $0x1  }
0x85: {  	v3 =	vadd.s32 v1, v3;
	_ =	sdelay $0x2  }
0x86: {  	[tilespmem:s16], [sflag:$0x1] =	stream.indirect_vreg.gather [hbm4b:s1+s3], $0x80, v4, vm0, $0xb8;
	[tilespmem:$0x8080] =	vst v63  }
0x87: {  	_ = 	snop  }
0x88: {  	[tilespmem:s17], [sflag:$0x1] =	stream.indirect_vreg.gather [hbm4b:s1+s3], $0x80, v3, vm0, $0xb8;
	[tilespmem:$0x8080] =	vst v63  }
0x89: {  	v3 =	vld [tilespmem:$0x20];
	_ =	sdelay $0x4  }
0x8a: {  	v42 =	vshll.u32 v3, $0x1  }
0x8b: {  	v3 =	vand.u32 $0x7, v3;
	v4 =	vand.u32 $0xFFFFFFF0, v42  }
0x8c: {  	v3 =	vor.u32 v3, v4  }
0x8d: {  	v4 =	vperm.xlane v3, v0;
	_ =	sdelay $0x1  }
0x8e: {  	v3 =	vperm.xlane v3, v2;
	v4 =	vadd.s32 v1, v4;
	_ =	sdelay $0x1  }
0x8f: {  	v3 =	vadd.s32 v1, v3;
	_ =	sdelay $0x2  }
0x90: {  	[tilespmem:s18], [sflag:$0x1] =	stream.indirect_vreg.gather [hbm4b:s1+s3], $0x80, v4, vm0, $0xb8;
	[tilespmem:$0x8080] =	vst v63  }
0x91: {  	_ = 	snop  }
0x92: {  	[tilespmem:s19], [sflag:$0x1] =	stream.indirect_vreg.gather [hbm4b:s1+s3], $0x80, v3, vm0, $0xb8;
	[tilespmem:$0x8080] =	vst v63  }
0x93: {  	v3 =	vld [tilespmem:$0x30];
	_ =	sdelay $0x4  }
0x94: {  	v43 =	vshll.u32 v3, $0x1  }
0x95: {  	v3 =	vand.u32 $0x7, v3;
	v4 =	vand.u32 $0xFFFFFFF0, v43  }
0x96: {  	v3 =	vor.u32 v3, v4  }
0x97: {  	v4 =	vperm.xlane v3, v0;
	_ =	sdelay $0x1  }
0x98: {  	v3 =	vperm.xlane v3, v2;
	v4 =	vadd.s32 v1, v4;
	_ =	sdelay $0x1  }
0x99: {  	v3 =	vadd.s32 v1, v3;
	_ =	sdelay $0x2  }
0x9a: {  	[tilespmem:s20], [sflag:$0x1] =	stream.indirect_vreg.gather [hbm4b:s1+s3], $0x80, v4, vm0, $0xb8;
	[tilespmem:$0x8080] =	vst v63  }
0x9b: {  	_ = 	snop  }
0x9c: {  	[tilespmem:s21], [sflag:$0x1] =	stream.indirect_vreg.gather [hbm4b:s1+s3], $0x80, v3, vm0, $0xb8;
	[tilespmem:$0x8080] =	vst v63  }
0x9d: {  	v3 =	vld [tilespmem:$0x40];
	_ =	sdelay $0x4  }
0x9e: {  	v44 =	vshll.u32 v3, $0x1  }
0x9f: {  	v3 =	vand.u32 $0x7, v3;
	v4 =	vand.u32 $0xFFFFFFF0, v44  }
0xa0: {  	v3 =	vor.u32 v3, v4  }
0xa1: {  	v4 =	vperm.xlane v3, v0;
	_ =	sdelay $0x1  }
0xa2: {  	v3 =	vperm.xlane v3, v2;
	v4 =	vadd.s32 v1, v4;
	_ =	sdelay $0x1  }
0xa3: {  	v3 =	vadd.s32 v1, v3;
	_ =	sdelay $0x2  }
0xa4: {  	[tilespmem:s22], [sflag:$0x1] =	stream.indirect_vreg.gather [hbm4b:s1+s3], $0x80, v4, vm0, $0xb8;
	[tilespmem:$0x8080] =	vst v63  }
0xa5: {  	_ = 	snop  }
0xa6: {  	[tilespmem:s23], [sflag:$0x1] =	stream.indirect_vreg.gather [hbm4b:s1+s3], $0x80, v3, vm0, $0xb8;
	[tilespmem:$0x8080] =	vst v63  }
0xa7: {  	v3 =	vld [tilespmem:$0x50];
	_ =	sdelay $0x4  }
0xa8: {  	v45 =	vshll.u32 v3, $0x1  }
0xa9: {  	v3 =	vand.u32 $0x7, v3;
	v4 =	vand.u32 $0xFFFFFFF0, v45  }
0xaa: {  	v3 =	vor.u32 v3, v4  }
0xab: {  	v4 =	vperm.xlane v3, v0;
	_ =	sdelay $0x1  }
0xac: {  	v3 =	vperm.xlane v3, v2;
	v4 =	vadd.s32 v1, v4;
	_ =	sdelay $0x1  }
0xad: {  	v3 =	vadd.s32 v1, v3;
	_ =	sdelay $0x2  }
0xae: {  	[tilespmem:s24], [sflag:$0x1] =	stream.indirect_vreg.gather [hbm4b:s1+s3], $0x80, v4, vm0, $0xb8;
	[tilespmem:$0x8080] =	vst v63  }
0xaf: {  	_ = 	snop  }
0xb0: {  	[tilespmem:s25], [sflag:$0x1] =	stream.indirect_vreg.gather [hbm4b:s1+s3], $0x80, v3, vm0, $0xb8;
	[tilespmem:$0x8080] =	vst v63  }
0xb1: {  	v3 =	vld [tilespmem:$0x60];
	_ =	sdelay $0x4  }
0xb2: {  	v46 =	vshll.u32 v3, $0x1  }
0xb3: {  	v3 =	vand.u32 $0x7, v3;
	v4 =	vand.u32 $0xFFFFFFF0, v46  }
0xb4: {  	v3 =	vor.u32 v3, v4  }
0xb5: {  	v4 =	vperm.xlane v3, v0;
	_ =	sdelay $0x1  }
0xb6: {  	v3 =	vperm.xlane v3, v2;
	v4 =	vadd.s32 v1, v4;
	_ =	sdelay $0x1  }
0xb7: {  	v3 =	vadd.s32 v1, v3;
	_ =	sdelay $0x2  }
0xb8: {  	[tilespmem:s26], [sflag:$0x1] =	stream.indirect_vreg.gather [hbm4b:s1+s3], $0x80, v4, vm0, $0xb8;
	[tilespmem:$0x8080] =	vst v63  }
0xb9: {  	_ = 	snop  }
0xba: {  	[tilespmem:s28], [sflag:$0x1] =	stream.indirect_vreg.gather [hbm4b:s1+s3], $0x80, v3, vm0, $0xb8;
	[tilespmem:$0x8080] =	vst v63  }
0xbb: {  	v3 =	vld [tilespmem:$0x70];
	_ =	sdelay $0x4  }
0xbc: {  	v47 =	vshll.u32 v3, $0x1  }
0xbd: {  	v3 =	vand.u32 $0x7, v3;
	v4 =	vand.u32 $0xFFFFFFF0, v47  }
0xbe: {  	v3 =	vor.u32 v3, v4  }
0xbf: {  	v4 =	vperm.xlane v3, v0;
	_ =	sdelay $0x1  }
0xc0: {  	v3 =	vperm.xlane v3, v2;
	v4 =	vadd.s32 v1, v4;
	_ =	sdelay $0x1  }
0xc1: {  	v3 =	vadd.s32 v1, v3;
	_ =	sdelay $0x2  }
0xc2: {  	[tilespmem:s29], [sflag:$0x1] =	stream.indirect_vreg.gather [hbm4b:s1+s3], $0x80, v4, vm0, $0xb8;
	[tilespmem:$0x8080] =	vst v63  }
0xc3: {  	_ = 	snop  }
0xc4: {  	[tilespmem:s30], [sflag:$0x1] =	stream.indirect_vreg.gather [hbm4b:s1+s3], $0x80, v3, vm0, $0xb8;
	[tilespmem:$0x8080] =	vst v63  }
0xc5: {  	_ =	swait.ge [sflag:s31], $0x8000  }
0xc6: {  	[sflag:s31] =	ssyncset.done $0x0  }
0xc7: {  	[sflag:s31] =	ssyncadd.s32 $0xFFFF8000  }
0xc8: {  	[hbm4b:s7+s3] =	stream.linear.scatter [tilespmem:s14], [sflag:$0x2], $0x8000, $0x38;
	[tilespmem:$0x8080] =	vst v63  }
0xc9: {  	_ =	swait.ge [sflag:s13], $0x8000  }
0xca: {  	[sflag:s13] =	ssyncset.done $0x0  }
0xcb: {  	[sflag:s13] =	ssyncadd.s32 $0xFFFF8000  }
0xcc: {  	[tilespmem:s3], [sflag:$0x2] =	stream.linear.gather [hbm4b:s8+s3], $0x80, $0x38;
	[tilespmem:$0x8080] =	vst v63  }
0xcd: {  	_ =	swait.ge [sflag:s13], $0x80  }
0xce: {  	[sflag:s13] =	ssyncset.done $0x0  }
0xcf: {  	[sflag:s13] =	ssyncadd.s32 $0xFFFFFF80  }
0xd0: {  	v3 =	vld [tilespmem:$0x0];
	_ =	sdelay $0x4  }
0xd1: {  	v48 =	vshll.u32 v3, $0x1  }
0xd2: {  	v3 =	vand.u32 $0x7, v3;
	v4 =	vand.u32 $0xFFFFFFF0, v48  }
0xd3: {  	v3 =	vor.u32 v3, v4  }
0xd4: {  	v4 =	vperm.xlane v3, v0;
	_ =	sdelay $0x1  }
0xd5: {  	v3 =	vperm.xlane v3, v2;
	v4 =	vadd.s32 v1, v4;
	_ =	sdelay $0x1  }
0xd6: {  	v3 =	vadd.s32 v1, v3;
	_ =	sdelay $0x2  }
0xd7: {  	[tilespmem:s14], [sflag:$0x1] =	stream.indirect_vreg.gather [hbm4b:s1+s3], $0x80, v4, vm0, $0xb8;
	[tilespmem:$0x8080] =	vst v63  }
0xd8: {  	_ = 	snop  }
0xd9: {  	[tilespmem:s15], [sflag:$0x1] =	stream.indirect_vreg.gather [hbm4b:s1+s3], $0x80, v3, vm0, $0xb8;
	[tilespmem:$0x8080] =	vst v63  }
0xda: {  	v3 =	vld [tilespmem:$0x10];
	_ =	sdelay $0x4  }
0xdb: {  	v49 =	vshll.u32 v3, $0x1  }
0xdc: {  	v3 =	vand.u32 $0x7, v3;
	v4 =	vand.u32 $0xFFFFFFF0, v49  }
0xdd: {  	v3 =	vor.u32 v3, v4  }
0xde: {  	v4 =	vperm.xlane v3, v0;
	_ =	sdelay $0x1  }
0xdf: {  	v3 =	vperm.xlane v3, v2;
	v4 =	vadd.s32 v1, v4;
	_ =	sdelay $0x1  }
0xe0: {  	v3 =	vadd.s32 v1, v3;
	_ =	sdelay $0x2  }
0xe1: {  	[tilespmem:s16], [sflag:$0x1] =	stream.indirect_vreg.gather [hbm4b:s1+s3], $0x80, v4, vm0, $0xb8;
	[tilespmem:$0x8080] =	vst v63  }
0xe2: {  	_ = 	snop  }
0xe3: {  	[tilespmem:s17], [sflag:$0x1] =	stream.indirect_vreg.gather [hbm4b:s1+s3], $0x80, v3, vm0, $0xb8;
	[tilespmem:$0x8080] =	vst v63  }
0xe4: {  	v3 =	vld [tilespmem:$0x20];
	_ =	sdelay $0x4  }
0xe5: {  	v50 =	vshll.u32 v3, $0x1  }
0xe6: {  	v3 =	vand.u32 $0x7, v3;
	v4 =	vand.u32 $0xFFFFFFF0, v50  }
0xe7: {  	v3 =	vor.u32 v3, v4  }
0xe8: {  	v4 =	vperm.xlane v3, v0;
	_ =	sdelay $0x1  }
0xe9: {  	v3 =	vperm.xlane v3, v2;
	v4 =	vadd.s32 v1, v4;
	_ =	sdelay $0x1  }
0xea: {  	v3 =	vadd.s32 v1, v3;
	_ =	sdelay $0x2  }
0xeb: {  	[tilespmem:s18], [sflag:$0x1] =	stream.indirect_vreg.gather [hbm4b:s1+s3], $0x80, v4, vm0, $0xb8;
	[tilespmem:$0x8080] =	vst v63  }
0xec: {  	_ = 	snop  }
0xed: {  	[tilespmem:s19], [sflag:$0x1] =	stream.indirect_vreg.gather [hbm4b:s1+s3], $0x80, v3, vm0, $0xb8;
	[tilespmem:$0x8080] =	vst v63  }
0xee: {  	v3 =	vld [tilespmem:$0x30];
	_ =	sdelay $0x4  }
0xef: {  	v51 =	vshll.u32 v3, $0x1  }
0xf0: {  	v3 =	vand.u32 $0x7, v3;
	v4 =	vand.u32 $0xFFFFFFF0, v51  }
0xf1: {  	v3 =	vor.u32 v3, v4  }
0xf2: {  	v4 =	vperm.xlane v3, v0;
	_ =	sdelay $0x1  }
0xf3: {  	v3 =	vperm.xlane v3, v2;
	v4 =	vadd.s32 v1, v4;
	_ =	sdelay $0x1  }
0xf4: {  	v3 =	vadd.s32 v1, v3;
	_ =	sdelay $0x2  }
0xf5: {  	[tilespmem:s20], [sflag:$0x1] =	stream.indirect_vreg.gather [hbm4b:s1+s3], $0x80, v4, vm0, $0xb8;
	[tilespmem:$0x8080] =	vst v63  }
0xf6: {  	_ = 	snop  }
0xf7: {  	[tilespmem:s21], [sflag:$0x1] =	stream.indirect_vreg.gather [hbm4b:s1+s3], $0x80, v3, vm0, $0xb8;
	[tilespmem:$0x8080] =	vst v63  }
0xf8: {  	v3 =	vld [tilespmem:$0x40];
	_ =	sdelay $0x4  }
0xf9: {  	v52 =	vshll.u32 v3, $0x1  }
0xfa: {  	v3 =	vand.u32 $0x7, v3;
	v4 =	vand.u32 $0xFFFFFFF0, v52  }
0xfb: {  	v3 =	vor.u32 v3, v4  }
0xfc: {  	v4 =	vperm.xlane v3, v0;
	_ =	sdelay $0x1  }
0xfd: {  	v3 =	vperm.xlane v3, v2;
	v4 =	vadd.s32 v1, v4;
	_ =	sdelay $0x1  }
0xfe: {  	v3 =	vadd.s32 v1, v3;
	_ =	sdelay $0x2  }
0xff: {  	[tilespmem:s22], [sflag:$0x1] =	stream.indirect_vreg.gather [hbm4b:s1+s3], $0x80, v4, vm0, $0xb8;
	[tilespmem:$0x8080] =	vst v63  }
0x100: {  	_ = 	snop  }
0x101: {  	[tilespmem:s23], [sflag:$0x1] =	stream.indirect_vreg.gather [hbm4b:s1+s3], $0x80, v3, vm0, $0xb8;
	[tilespmem:$0x8080] =	vst v63  }
0x102: {  	v3 =	vld [tilespmem:$0x50];
	_ =	sdelay $0x4  }
0x103: {  	v53 =	vshll.u32 v3, $0x1  }
0x104: {  	v3 =	vand.u32 $0x7, v3;
	v4 =	vand.u32 $0xFFFFFFF0, v53  }
0x105: {  	v3 =	vor.u32 v3, v4  }
0x106: {  	v4 =	vperm.xlane v3, v0;
	_ =	sdelay $0x1  }
0x107: {  	v3 =	vperm.xlane v3, v2;
	v4 =	vadd.s32 v1, v4;
	_ =	sdelay $0x1  }
0x108: {  	v3 =	vadd.s32 v1, v3;
	_ =	sdelay $0x2  }
0x109: {  	[tilespmem:s24], [sflag:$0x1] =	stream.indirect_vreg.gather [hbm4b:s1+s3], $0x80, v4, vm0, $0xb8;
	[tilespmem:$0x8080] =	vst v63  }
0x10a: {  	_ = 	snop  }
0x10b: {  	[tilespmem:s25], [sflag:$0x1] =	stream.indirect_vreg.gather [hbm4b:s1+s3], $0x80, v3, vm0, $0xb8;
	[tilespmem:$0x8080] =	vst v63  }
0x10c: {  	v3 =	vld [tilespmem:$0x60];
	_ =	sdelay $0x4  }
0x10d: {  	v54 =	vshll.u32 v3, $0x1  }
0x10e: {  	v3 =	vand.u32 $0x7, v3;
	v4 =	vand.u32 $0xFFFFFFF0, v54  }
0x10f: {  	v3 =	vor.u32 v3, v4  }
0x110: {  	v4 =	vperm.xlane v3, v0;
	_ =	sdelay $0x1  }
0x111: {  	v3 =	vperm.xlane v3, v2;
	v4 =	vadd.s32 v1, v4;
	_ =	sdelay $0x1  }
0x112: {  	v3 =	vadd.s32 v1, v3;
	_ =	sdelay $0x2  }
0x113: {  	[tilespmem:s26], [sflag:$0x1] =	stream.indirect_vreg.gather [hbm4b:s1+s3], $0x80, v4, vm0, $0xb8;
	[tilespmem:$0x8080] =	vst v63  }
0x114: {  	_ = 	snop  }
0x115: {  	[tilespmem:s28], [sflag:$0x1] =	stream.indirect_vreg.gather [hbm4b:s1+s3], $0x80, v3, vm0, $0xb8;
	[tilespmem:$0x8080] =	vst v63  }
0x116: {  	v3 =	vld [tilespmem:$0x70];
	_ =	sdelay $0x4  }
0x117: {  	v55 =	vshll.u32 v3, $0x1  }
0x118: {  	v3 =	vand.u32 $0x7, v3;
	v4 =	vand.u32 $0xFFFFFFF0, v55  }
0x119: {  	v3 =	vor.u32 v3, v4  }
0x11a: {  	v4 =	vperm.xlane v3, v0;
	_ =	sdelay $0x1  }
0x11b: {  	v3 =	vperm.xlane v3, v2;
	v4 =	vadd.s32 v1, v4;
	_ =	sdelay $0x1  }
0x11c: {  	v3 =	vadd.s32 v1, v3;
	_ =	sdelay $0x2  }
0x11d: {  	[tilespmem:s29], [sflag:$0x1] =	stream.indirect_vreg.gather [hbm4b:s1+s3], $0x80, v4, vm0, $0xb8;
	[tilespmem:$0x8080] =	vst v63  }
0x11e: {  	_ = 	snop  }
0x11f: {  	[tilespmem:s30], [sflag:$0x1] =	stream.indirect_vreg.gather [hbm4b:s1+s3], $0x80, v3, vm0, $0xb8;
	[tilespmem:$0x8080] =	vst v63  }
0x120: {  	_ =	swait.ge [sflag:s31], $0x8000  }
0x121: {  	[sflag:s31] =	ssyncset.done $0x0  }
0x122: {  	[sflag:s31] =	ssyncadd.s32 $0xFFFF8000  }
0x123: {  	[hbm4b:s9+s3] =	stream.linear.scatter [tilespmem:s14], [sflag:$0x2], $0x8000, $0x38;
	[tilespmem:$0x8080] =	vst v63  }
0x124: {  	_ =	swait.ge [sflag:s13], $0x8000  }
0x125: {  	[sflag:s13] =	ssyncset.done $0x0  }
0x126: {  	[sflag:s13] =	ssyncadd.s32 $0xFFFF8000  }
0x127: {  	[tilespmem:s3], [sflag:$0x2] =	stream.linear.gather [hbm4b:s10+s3], $0x80, $0x38;
	[tilespmem:$0x8080] =	vst v63  }
0x128: {  	_ =	swait.ge [sflag:s13], $0x80  }
0x129: {  	[sflag:s13] =	ssyncset.done $0x0  }
0x12a: {  	[sflag:s13] =	ssyncadd.s32 $0xFFFFFF80  }
0x12b: {  	v3 =	vld [tilespmem:$0x0];
	_ =	sdelay $0x4  }
0x12c: {  	v56 =	vshll.u32 v3, $0x1  }
0x12d: {  	v3 =	vand.u32 $0x7, v3;
	v4 =	vand.u32 $0xFFFFFFF0, v56  }
0x12e: {  	v3 =	vor.u32 v3, v4  }
0x12f: {  	v4 =	vperm.xlane v3, v0;
	_ =	sdelay $0x1  }
0x130: {  	v3 =	vperm.xlane v3, v2;
	v4 =	vadd.s32 v1, v4;
	_ =	sdelay $0x1  }
0x131: {  	v3 =	vadd.s32 v1, v3;
	_ =	sdelay $0x2  }
0x132: {  	[tilespmem:s14], [sflag:$0x1] =	stream.indirect_vreg.gather [hbm4b:s1+s3], $0x80, v4, vm0, $0xb8;
	[tilespmem:$0x8080] =	vst v63  }
0x133: {  	_ = 	snop  }
0x134: {  	[tilespmem:s15], [sflag:$0x1] =	stream.indirect_vreg.gather [hbm4b:s1+s3], $0x80, v3, vm0, $0xb8;
	[tilespmem:$0x8080] =	vst v63  }
0x135: {  	v3 =	vld [tilespmem:$0x10];
	_ =	sdelay $0x4  }
0x136: {  	v57 =	vshll.u32 v3, $0x1  }
0x137: {  	v3 =	vand.u32 $0x7, v3;
	v4 =	vand.u32 $0xFFFFFFF0, v57  }
0x138: {  	v3 =	vor.u32 v3, v4  }
0x139: {  	v4 =	vperm.xlane v3, v0;
	_ =	sdelay $0x1  }
0x13a: {  	v3 =	vperm.xlane v3, v2;
	v4 =	vadd.s32 v1, v4;
	_ =	sdelay $0x1  }
0x13b: {  	v3 =	vadd.s32 v1, v3;
	_ =	sdelay $0x2  }
0x13c: {  	[tilespmem:s16], [sflag:$0x1] =	stream.indirect_vreg.gather [hbm4b:s1+s3], $0x80, v4, vm0, $0xb8;
	[tilespmem:$0x8080] =	vst v63  }
0x13d: {  	_ = 	snop  }
0x13e: {  	[tilespmem:s17], [sflag:$0x1] =	stream.indirect_vreg.gather [hbm4b:s1+s3], $0x80, v3, vm0, $0xb8;
	[tilespmem:$0x8080] =	vst v63  }
0x13f: {  	v3 =	vld [tilespmem:$0x20];
	_ =	sdelay $0x4  }
0x140: {  	v58 =	vshll.u32 v3, $0x1  }
0x141: {  	v3 =	vand.u32 $0x7, v3;
	v4 =	vand.u32 $0xFFFFFFF0, v58  }
0x142: {  	v3 =	vor.u32 v3, v4  }
0x143: {  	v4 =	vperm.xlane v3, v0;
	_ =	sdelay $0x1  }
0x144: {  	v3 =	vperm.xlane v3, v2;
	v4 =	vadd.s32 v1, v4;
	_ =	sdelay $0x1  }
0x145: {  	v3 =	vadd.s32 v1, v3;
	_ =	sdelay $0x2  }
0x146: {  	[tilespmem:s18], [sflag:$0x1] =	stream.indirect_vreg.gather [hbm4b:s1+s3], $0x80, v4, vm0, $0xb8;
	[tilespmem:$0x8080] =	vst v63  }
0x147: {  	_ = 	snop  }
0x148: {  	[tilespmem:s19], [sflag:$0x1] =	stream.indirect_vreg.gather [hbm4b:s1+s3], $0x80, v3, vm0, $0xb8;
	[tilespmem:$0x8080] =	vst v63  }
0x149: {  	v3 =	vld [tilespmem:$0x30];
	_ =	sdelay $0x4  }
0x14a: {  	v59 =	vshll.u32 v3, $0x1  }
0x14b: {  	v3 =	vand.u32 $0x7, v3;
	v4 =	vand.u32 $0xFFFFFFF0, v59  }
0x14c: {  	v3 =	vor.u32 v3, v4  }
0x14d: {  	v4 =	vperm.xlane v3, v0;
	_ =	sdelay $0x1  }
0x14e: {  	v3 =	vperm.xlane v3, v2;
	v4 =	vadd.s32 v1, v4;
	_ =	sdelay $0x1  }
0x14f: {  	v3 =	vadd.s32 v1, v3;
	_ =	sdelay $0x2  }
0x150: {  	[tilespmem:s20], [sflag:$0x1] =	stream.indirect_vreg.gather [hbm4b:s1+s3], $0x80, v4, vm0, $0xb8;
	[tilespmem:$0x8080] =	vst v63  }
0x151: {  	_ = 	snop  }
0x152: {  	[tilespmem:s21], [sflag:$0x1] =	stream.indirect_vreg.gather [hbm4b:s1+s3], $0x80, v3, vm0, $0xb8;
	[tilespmem:$0x8080] =	vst v63  }
0x153: {  	v3 =	vld [tilespmem:$0x40];
	_ =	sdelay $0x4  }
0x154: {  	v60 =	vshll.u32 v3, $0x1  }
0x155: {  	v3 =	vand.u32 $0x7, v3;
	v4 =	vand.u32 $0xFFFFFFF0, v60  }
0x156: {  	v3 =	vor.u32 v3, v4  }
0x157: {  	v4 =	vperm.xlane v3, v0;
	_ =	sdelay $0x1  }
0x158: {  	v3 =	vperm.xlane v3, v2;
	v4 =	vadd.s32 v1, v4;
	_ =	sdelay $0x1  }
0x159: {  	v3 =	vadd.s32 v1, v3;
	_ =	sdelay $0x2  }
0x15a: {  	[tilespmem:s22], [sflag:$0x1] =	stream.indirect_vreg.gather [hbm4b:s1+s3], $0x80, v4, vm0, $0xb8;
	[tilespmem:$0x8080] =	vst v63  }
0x15b: {  	_ = 	snop  }
0x15c: {  	[tilespmem:s23], [sflag:$0x1] =	stream.indirect_vreg.gather [hbm4b:s1+s3], $0x80, v3, vm0, $0xb8;
	[tilespmem:$0x8080] =	vst v63  }
0x15d: {  	v3 =	vld [tilespmem:$0x50];
	_ =	sdelay $0x4  }
0x15e: {  	v61 =	vshll.u32 v3, $0x1  }
0x15f: {  	v3 =	vand.u32 $0x7, v3;
	v4 =	vand.u32 $0xFFFFFFF0, v61  }
0x160: {  	v3 =	vor.u32 v3, v4  }
0x161: {  	v4 =	vperm.xlane v3, v0;
	_ =	sdelay $0x1  }
0x162: {  	v3 =	vperm.xlane v3, v2;
	v4 =	vadd.s32 v1, v4;
	_ =	sdelay $0x1  }
0x163: {  	v3 =	vadd.s32 v1, v3;
	_ =	sdelay $0x2  }
0x164: {  	[tilespmem:s24], [sflag:$0x1] =	stream.indirect_vreg.gather [hbm4b:s1+s3], $0x80, v4, vm0, $0xb8;
	[tilespmem:$0x8080] =	vst v63  }
0x165: {  	_ = 	snop  }
0x166: {  	[tilespmem:s25], [sflag:$0x1] =	stream.indirect_vreg.gather [hbm4b:s1+s3], $0x80, v3, vm0, $0xb8;
	[tilespmem:$0x8080] =	vst v63  }
0x167: {  	v3 =	vld [tilespmem:$0x60];
	_ =	sdelay $0x4  }
0x168: {  	v62 =	vshll.u32 v3, $0x1  }
0x169: {  	v3 =	vand.u32 $0x7, v3;
	v4 =	vand.u32 $0xFFFFFFF0, v62  }
0x16a: {  	v3 =	vor.u32 v3, v4  }
0x16b: {  	v4 =	vperm.xlane v3, v0;
	_ =	sdelay $0x1  }
0x16c: {  	v3 =	vperm.xlane v3, v2;
	v4 =	vadd.s32 v1, v4;
	_ =	sdelay $0x1  }
0x16d: {  	v3 =	vadd.s32 v1, v3;
	_ =	sdelay $0x2  }
0x16e: {  	[tilespmem:s26], [sflag:$0x1] =	stream.indirect_vreg.gather [hbm4b:s1+s3], $0x80, v4, vm0, $0xb8;
	[tilespmem:$0x8080] =	vst v63  }
0x16f: {  	_ = 	snop  }
0x170: {  	[tilespmem:s28], [sflag:$0x1] =	stream.indirect_vreg.gather [hbm4b:s1+s3], $0x80, v3, vm0, $0xb8;
	[tilespmem:$0x8080] =	vst v63  }
0x171: {  	v3 =	vld [tilespmem:$0x70];
	_ =	sdelay $0x4  }
0x172: {  	v63 =	vshll.u32 v3, $0x1  }
0x173: {  	v3 =	vand.u32 $0x7, v3;
	v4 =	vand.u32 $0xFFFFFFF0, v63  }
0x174: {  	v3 =	vor.u32 v3, v4  }
0x175: {  	v4 =	vperm.xlane v3, v0;
	_ =	sdelay $0x1  }
0x176: {  	v3 =	vperm.xlane v3, v2;
	v4 =	vadd.s32 v1, v4;
	_ =	sdelay $0x1  }
0x177: {  	v3 =	vadd.s32 v1, v3;
	_ =	sdelay $0x2  }
0x178: {  	[tilespmem:s29], [sflag:$0x1] =	stream.indirect_vreg.gather [hbm4b:s1+s3], $0x80, v4, vm0, $0xb8;
	[tilespmem:$0x8080] =	vst v63  }
0x179: {  	_ = 	snop  }
0x17a: {  	[tilespmem:s30], [sflag:$0x1] =	stream.indirect_vreg.gather [hbm4b:s1+s3], $0x80, v3, vm0, $0xb8;
	[tilespmem:$0x8080] =	vst v63  }
0x17b: {  	_ =	swait.ge [sflag:s31], $0x8000  }
0x17c: {  	p0 =	sne.s32 s12, $0x1;
	[sflag:s31] =	ssyncset.done $0x0  }
.Ltmp0:
0x17d: {  	[sflag:s31] =	ssyncadd.s32 $0xFFFF8000;
	(pc) =	sbr.rel @p0 .LBB2_1-.Ltmp0, $4  }
0x17e: {  	[hbm4b:s11+s3] =	stream.linear.scatter [tilespmem:s14], [sflag:$0x2], $0x8000, $0x38;
	[tilespmem:$0x8080] =	vst v63  }
0x17f: {  	_ =	swait.ge [sflag:s13], $0x8000  }
0x180: {  	[sflag:s13] =	ssyncset.done $0x0  }
0x181: {  	s12 =	sadd.s32 $0xFFFFFFFF, s12;
	[sflag:s13] =	ssyncadd.s32 $0xFFFF8000  }
0x182: {  	_ =	sfence.sel $0x180000  }
0x183: {  	[bflag:$0x0] =	sbarrier.arrive $0xFFFF  }
0x184: {  	p0 =	sne.s32 s2, $0x0;
	_ =	strace $0x90000047  }
0x185: {  	s0 =	sadd.s32 @!p0 $0x100000, s0;
	[bflag:$0x2] =	sbarrier.arrive $0xFFFF  }
0x186: {  	[sflag:s0] =	ssyncadd.tile.s32 @!p0 $0x1;
	_ =	shalt  }
.Lfunc_end2:
_tile_overlayer_lowered:
.L_overlay_start_2:
0x187: {  	(tag) =	ssettag $0x2  }
0x188: {  	s0 =	rddreg [dreg:$0x0];
	s2 =	stileid.u32  }
0x189: {  	s1 =	rddreg [dreg:$0x1];
	p0 =	sne.s32 s2, $0x0  }
0x18a: {  	s3 =	rddreg [dreg:$0x2];
	[bflag:$0x3] =	sbarrier.arrive $0xFFFF;
	s2 =	simm.s32 @!p0 $0x1C02  }
0x18b: {  	[timem:s3], [sflag:s2] =	dma.local @!p0 [hbm:s0], s1  }
0x18c: {  	s0 =	simm.s32 @!p0 $0x2  }
0x18d: {  	_ =	swait.ge @!p0 [sflag:s0], s1  }
0x18e: {  	s1 =	ssub.s32 @!p0 $0x0, s1;
	[sflag:s0] =	ssyncset.done @!p0 $0x0  }
0x18f: {  	[sflag:s0] =	ssyncadd.s32 @!p0 s1  }
0x190: {  	[bflag:$0x3] =	sbarrier.arrive $0xFFFF  }
0x191: {  	_ =	shalt  }

</sc_bundles>
